<compile_context>
chip_gen: v7x
topology: tpu7x:2x2x1
jax: 0.10.2.dev20260603
libtpu: 0.0.44.dev20260713+nightly
codegen_flags: <defaults>
</compile_context>

<pallas_src>
import functools

import jax
import jax.numpy as jnp
import numpy as np
from jax import lax
from jax.experimental import pallas as pl
from jax.experimental.pallas import tpu as pltpu
from jax.experimental.pallas import tpu_sc as plsc

NC = 2
NS = 16
NW = NC * NS
CHUNK = 128


def _sc_scatter_kernel(n_pad, d, cpw, full_chunks):
    mesh = plsc.VectorSubcoreMesh(core_axis_name="c", subcore_axis_name="s")
    rows_per_tile = n_pad // NS

    @functools.partial(
        pl.kernel,
        out_type=jax.ShapeDtypeStruct((NC, n_pad, d), jnp.float32),
        mesh=mesh,
        scratch_types=[
            pltpu.VMEM_SHARED((n_pad, d), jnp.float32),
            pltpu.VMEM((4, CHUNK), jnp.int32),
            pltpu.VMEM((4, CHUNK), jnp.int32),
            pltpu.VMEM((2, CHUNK, d), jnp.float32),
            pltpu.SemaphoreType.DMA,
            pltpu.SemaphoreType.DMA,
            pltpu.SemaphoreType.DMA,
            pltpu.SemaphoreType.DMA,
            pltpu.SemaphoreType.DMA,
        ],
    )
    def sc_kernel(x_hbm, ei_hbm, aux_hbm, zero_hbm, out_hbm,
                  h_sh, sidx, didx, rows, gsem0, gsem1, isem, ssem0, ssem1):
        gsems = (gsem0, gsem1)
        ssems = (ssem0, ssem1)
        c = lax.axis_index("c")
        s = lax.axis_index("s")
        wid = s * NC + c
        r0 = s * rows_per_tile
        pltpu.sync_copy(zero_hbm, h_sh.at[pl.ds(r0, rows_per_tile)])
        plsc.subcore_barrier()

        def load_idx(j, slot, sync):
            cid = j * NW + wid

            @pl.when(cid < full_chunks)
            def _real():
                off = cid * CHUNK
                if sync:
                    pltpu.sync_copy(ei_hbm.at[0, pl.ds(off, CHUNK)],
                                    sidx.at[slot])
                    pltpu.sync_copy(ei_hbm.at[1, pl.ds(off, CHUNK)],
                                    didx.at[slot])
                else:
                    pltpu.async_copy(ei_hbm.at[0, pl.ds(off, CHUNK)],
                                     sidx.at[slot], isem)
                    pltpu.async_copy(ei_hbm.at[1, pl.ds(off, CHUNK)],
                                     didx.at[slot], isem)

            @pl.when(cid >= full_chunks)
            def _aux():
                a = cid - full_chunks
                if sync:
                    pltpu.sync_copy(aux_hbm.at[a, 0], sidx.at[slot])
                    pltpu.sync_copy(aux_hbm.at[a, 1], didx.at[slot])
                else:
                    pltpu.async_copy(aux_hbm.at[a, 0], sidx.at[slot], isem)
                    pltpu.async_copy(aux_hbm.at[a, 1], didx.at[slot], isem)

        def wait_idx(slot):
            pltpu.make_async_copy(ei_hbm.at[0, pl.ds(0, CHUNK)],
                                  sidx.at[slot], isem).wait()
            pltpu.make_async_copy(ei_hbm.at[1, pl.ds(0, CHUNK)],
                                  didx.at[slot], isem).wait()

        load_idx(0, 0, True)
        pltpu.async_copy(x_hbm.at[sidx.at[0]], rows.at[0], gsem0)
        load_idx(1, 1, False)

        def quad_body(p, carry):
            for b in range(4):
                j = 4 * p + b
                kn = (b + 1) % 4
                kf = (b + 2) % 4

                @pl.when((j >= 1) & (j + 1 < cpw))
                def _drain_prev_scatter():
                    pltpu.make_async_copy(rows.at[(b + 1) % 2],
                                          h_sh.at[didx.at[(b - 1) % 4]],
                                          ssems[(b + 1) % 2]).wait()

                @pl.when(j + 1 < cpw)
                def _ready_next_gather():
                    wait_idx(kn)
                    pltpu.async_copy(x_hbm.at[sidx.at[kn]],
                                     rows.at[(b + 1) % 2], gsems[(b + 1) % 2])

                @pl.when(j + 2 < cpw)
                def _prefetch_idx():
                    load_idx(j + 2, kf, False)

                pltpu.make_async_copy(x_hbm.at[sidx.at[b]],
                                      rows.at[b % 2], gsems[b % 2]).wait()
                pltpu.async_copy(rows.at[b % 2], h_sh.at[didx.at[b]],
                                 ssems[b % 2], add=True)
            return carry

        lax.fori_loop(0, cpw // 4, quad_body, 0)
        pltpu.make_async_copy(rows.at[(cpw - 2) % 2],
                              h_sh.at[didx.at[(cpw - 2) % 4]],
                              ssems[(cpw - 2) % 2]).wait()
        pltpu.make_async_copy(rows.at[(cpw - 1) % 2],
                              h_sh.at[didx.at[(cpw - 1) % 4]],
                              ssems[(cpw - 1) % 2]).wait()
        plsc.subcore_barrier()
        pltpu.sync_copy(h_sh.at[pl.ds(r0, rows_per_tile)],
                        out_hbm.at[c, pl.ds(r0, rows_per_tile)])

    return sc_kernel


def _tc_dense_kernel(p_ref, we_ref, be_ref, wd_ref, bd_ref, o_ref):
    h = p_ref[0] + p_ref[1]
    lat = jnp.dot(h, we_ref[...], preferred_element_type=jnp.float32)
    lat = jnp.maximum(lat + be_ref[...], 0.0)
    rec = jnp.dot(lat, wd_ref[...], preferred_element_type=jnp.float32)
    rec = rec + bd_ref[...]
    e = jnp.exp(rec)
    o_ref[...] = e / jnp.sum(e, axis=-1, keepdims=True)


def kernel(x, edge_index, W_enc, b_enc, W_dec, b_dec):
    n, d = x.shape
    e = edge_index.shape[1]
    lat_dim = W_enc.shape[1]

    n_pad = ((n + 8 * NS) + (128 * NS - 1)) // (128 * NS) * (128 * NS)
    cpw = -(-e // (NW * CHUNK))
    cpw = (cpw + 3) // 4 * 4
    n_chunks = cpw * NW
    full_chunks = e // CHUNK
    rem = e - full_chunks * CHUNK
    aux_cnt = n_chunks - full_chunks

    pad_len = aux_cnt * CHUNK - rem
    pad_src = np.arange(pad_len, dtype=np.int32) % n
    pad_dst = (n + np.arange(pad_len, dtype=np.int32) % (n_pad - n)).astype(
        np.int32)
    if rem:
        aux_src = jnp.concatenate(
            [edge_index[0, full_chunks * CHUNK:], jnp.asarray(pad_src)])
        aux_dst = jnp.concatenate(
            [edge_index[1, full_chunks * CHUNK:], jnp.asarray(pad_dst)])
        aux = jnp.stack(
            [aux_src.reshape(aux_cnt, CHUNK), aux_dst.reshape(aux_cnt, CHUNK)],
            axis=1)
    else:
        aux = jnp.asarray(
            np.stack([pad_src.reshape(aux_cnt, CHUNK),
                      pad_dst.reshape(aux_cnt, CHUNK)], axis=1))
    zero = jnp.asarray(np.zeros((n_pad // NS, d), np.float32))

    partials = _sc_scatter_kernel(n_pad, d, cpw, full_chunks)(
        x, edge_index, aux, zero)

    grid = 5
    br = n // grid
    prob = pl.pallas_call(
        _tc_dense_kernel,
        grid=(grid,),
        in_specs=[
            pl.BlockSpec((NC, br, d), lambda i: (0, i, 0)),
            pl.BlockSpec((d, lat_dim), lambda i: (0, 0)),
            pl.BlockSpec((1, lat_dim), lambda i: (0, 0)),
            pl.BlockSpec((lat_dim, d), lambda i: (0, 0)),
            pl.BlockSpec((1, d), lambda i: (0, 0)),
        ],
        out_specs=pl.BlockSpec((br, d), lambda i: (i, 0)),
        out_shape=jax.ShapeDtypeStruct((n, d), jnp.float32),
    )(partials, W_enc, b_enc.reshape(1, lat_dim), W_dec, b_dec.reshape(1, d))

    return prob

# --- scband reference (transcript-rebuilt; emitter-appended) ---
"""Pipeline reference for scband-net-1004-1288490189579 (READ-ONLY COPY).

The authoritative reference and input builder live on the scoring server;
editing this copy changes nothing except your own understanding.
"""

import jax, jax.numpy as jnp
import numpy as np

N = 10000
E = 320000
D = 128
L = 32


def setup_inputs(seed: int = 0) -> dict:
    key = jax.random.key(seed)
    ks = jax.random.split(key, 6)
    x = jax.random.normal(ks[0], (N, D), dtype=jnp.float32)
    edge_index = jax.random.randint(ks[1], (2, E), 0, N, dtype=jnp.int32)
    # SimpleAutoencoder parameters (encoder: D->L, decoder: L->D)
    W_enc = jax.random.normal(ks[2], (D, L), dtype=jnp.float32) * 0.05
    b_enc = jnp.zeros((L,), dtype=jnp.float32)
    W_dec = jax.random.normal(ks[3], (L, D), dtype=jnp.float32) * 0.05
    b_dec = jnp.zeros((D,), dtype=jnp.float32)
    return {"x": x, "edge_index": edge_index, "W_enc": W_enc, "b_enc": b_enc, "W_dec": W_dec, "b_dec": b_dec}


def reference(x, edge_index, W_enc, b_enc, W_dec, b_dec):
    # Message passing (gather over src, scatter-add over dst) as in the
    # encoder_od_do graph recurrence of Net_1004's OD module.
    src = edge_index[0]
    dst = edge_index[1]
    msgs = jnp.take(x, src, axis=0)                      # gather  [E, D]
    h = jax.ops.segment_sum(msgs, dst, num_segments=N)   # scatter-add [N, D]
    # SimpleAutoencoder: latent = relu(enc(h)); recon = dec(latent)
    latent = jax.nn.relu(h @ W_enc + b_enc)
    recon = latent @ W_dec + b_dec
    # LogitLayer: probability = exp(u) / sum(exp(u), -1)
    exp_u = jnp.exp(recon)
    prob = exp_u / exp_u.sum(axis=-1, keepdims=True)
    return prob

if __name__ == "__main__":
    import jax
    _d = setup_inputs()
    print(jax.jit(kernel)(*tuple(_d.values())))

</pallas_src>

<mosaic_0001>
#map = affine_map<(d0, d1) -> (0, 0)>
#map1 = affine_map<(d0, d1) -> (0, 0, 0)>
module attributes {stable_mosaic.version = 14 : i64} {
  func.func @sc_kernel(%arg0: i32, %arg1: i32, %arg2: memref<10000x128xf32, #tpu.memory_space<hbm>>, %arg3: memref<2x320000xi32, #tpu.memory_space<hbm>>, %arg4: memref<60x2x128xi32, #tpu.memory_space<hbm>>, %arg5: memref<640x128xf32, #tpu.memory_space<hbm>>, %arg6: memref<2x10240x128xf32, #tpu.memory_space<hbm>>, %arg7: memref<10240x128xf32, #tpu.memory_space<vmem_shared>>, %arg8: memref<4x128xi32, #tpu.memory_space<vmem>>, %arg9: memref<4x128xi32, #tpu.memory_space<vmem>>, %arg10: memref<2x128x128xf32, #tpu.memory_space<vmem>>, %arg11: memref<!tpu.dma_semaphore, #tpu.memory_space<semaphore_mem>>, %arg12: memref<!tpu.dma_semaphore, #tpu.memory_space<semaphore_mem>>, %arg13: memref<!tpu.dma_semaphore, #tpu.memory_space<semaphore_mem>>, %arg14: memref<!tpu.dma_semaphore, #tpu.memory_space<semaphore_mem>>, %arg15: memref<!tpu.dma_semaphore, #tpu.memory_space<semaphore_mem>>) attributes {dimension_semantics = [#tpu.dimension_semantics<core_parallel>, #tpu.dimension_semantics<subcore_parallel>], iteration_bounds = array<i64: 2, 16>, scalar_prefetch = 0 : i64, scratch_operands = 9 : i64, tpu.core_type = #tpu.core_type<sc_vector_subcore>, window_params = [{transform_indices = #map}, {transform_indices = #map}, {transform_indices = #map1}, {transform_indices = #map}, {transform_indices = #map1}]} {
    %mul3A = arith.constant 2 : i32
    %mul3A_0 = arith.muli %arg1, %mul3A : i32
    %add3A = arith.addi %mul3A_0, %arg0 : i32
    %mul3A_1 = arith.constant 640 : i32
    %mul3A_2 = arith.muli %arg1, %mul3A_1 : i32
    "tpu.region"() ({
      %run_scoped3A = tpu.sem_alloc : memref<!tpu.dma_semaphore, #tpu.memory_space<semaphore_mem>>
      %dma_start3A_63 = arith.constant 0 : i32
      %dma_start3A_64 = tpu.memref_slice %arg7[%mul3A_2, %dma_start3A_63] : memref<10240x128xf32, #tpu.memory_space<vmem_shared>> -> memref<640x128xf32, #tpu.memory_space<vmem_shared>>
      tpu.enqueue_dma source(%arg5 : memref<640x128xf32, #tpu.memory_space<hbm>>) target(%dma_start3A_64 : memref<640x128xf32, #tpu.memory_space<vmem_shared>>) target_semaphore(%run_scoped3A : memref<!tpu.dma_semaphore, #tpu.memory_space<semaphore_mem>>)
      %dma_wait3A_65 = arith.constant 0 : i32
      %dma_wait3A_66 = tpu.memref_slice %arg7[%mul3A_2, %dma_wait3A_65] : memref<10240x128xf32, #tpu.memory_space<vmem_shared>> -> memref<640x128xf32, #tpu.memory_space<vmem_shared>>
      tpu.wait_dma2 semaphore(%run_scoped3A : memref<!tpu.dma_semaphore, #tpu.memory_space<semaphore_mem>>) src(%arg5 : memref<640x128xf32, #tpu.memory_space<hbm>>) dst(%dma_wait3A_66 : memref<640x128xf32, #tpu.memory_space<vmem_shared>>)
      tpu.yield
    }) : () -> ()
    %barrier3A = arith.constant 0 : index
    tpu.barrier barrier_id(%barrier3A)
    %add3A_3 = arith.constant 0 : i32
    %add3A_4 = arith.addi %add3A_3, %add3A : i32
    %lt3A = arith.constant 2500 : i32
    %lt3A_5 = arith.cmpi slt, %add3A_4, %lt3A : i32
    %convert_element_type3A = arith.extui %lt3A_5 : i1 to i32
    %cond3A = arith.constant 0 : i32
    %cond3A_6 = arith.cmpi ne, %convert_element_type3A, %cond3A : i32
    scf.if %cond3A_6 {
      %mul3A_63 = arith.constant 128 : i32
      %mul3A_64 = arith.muli %add3A_4, %mul3A_63 : i32
      %run_scoped3A = arith.constant 0 : i32
      %run_scoped3A_65 = arith.constant 0 : i32
      "tpu.region"() ({
        %run_scoped3A_68 = tpu.sem_alloc : memref<!tpu.dma_semaphore, #tpu.memory_space<semaphore_mem>>
        %dma_start3A_69 = arith.constant 0 : i32
        %dma_start3A_70 = tpu.memref_slice %arg8[%run_scoped3A_65, %dma_start3A_69] : memref<4x128xi32, #tpu.memory_space<vmem>> -> memref<1x128xi32, #tpu.memory_space<vmem>>
        %dma_start3A_71 = tpu.memref_squeeze %dma_start3A_70 : memref<1x128xi32, #tpu.memory_space<vmem>> -> memref<128xi32, #tpu.memory_space<vmem>>
        %dma_start3A_72 = tpu.memref_slice %arg3[%run_scoped3A, %mul3A_64] : memref<2x320000xi32, #tpu.memory_space<hbm>> -> memref<1x128xi32, #tpu.memory_space<hbm>>
        %dma_start3A_73 = tpu.memref_squeeze %dma_start3A_72 : memref<1x128xi32, #tpu.memory_space<hbm>> -> memref<128xi32, #tpu.memory_space<hbm>>
        %dma_start3A_74 = arith.constant 0 : i32
        %dma_start3A_75 = tpu.memref_slice %arg8[%run_scoped3A_65, %dma_start3A_74] : memref<4x128xi32, #tpu.memory_space<vmem>> -> memref<1x128xi32, #tpu.memory_space<vmem>>
        %dma_start3A_76 = tpu.memref_squeeze %dma_start3A_75 : memref<1x128xi32, #tpu.memory_space<vmem>> -> memref<128xi32, #tpu.memory_space<vmem>>
        %dma_start3A_77 = tpu.memref_slice %arg3[%run_scoped3A, %mul3A_64] : memref<2x320000xi32, #tpu.memory_space<hbm>> -> memref<1x128xi32, #tpu.memory_space<hbm>>
        %dma_start3A_78 = tpu.memref_squeeze %dma_start3A_77 : memref<1x128xi32, #tpu.memory_space<hbm>> -> memref<128xi32, #tpu.memory_space<hbm>>
        tpu.enqueue_dma source(%dma_start3A_78 : memref<128xi32, #tpu.memory_space<hbm>>) target(%dma_start3A_76 : memref<128xi32, #tpu.memory_space<vmem>>) target_semaphore(%run_scoped3A_68 : memref<!tpu.dma_semaphore, #tpu.memory_space<semaphore_mem>>)
        %dma_wait3A_79 = arith.constant 0 : i32
        %dma_wait3A_80 = tpu.memref_slice %arg8[%run_scoped3A_65, %dma_wait3A_79] : memref<4x128xi32, #tpu.memory_space<vmem>> -> memref<1x128xi32, #tpu.memory_space<vmem>>
        %dma_wait3A_81 = tpu.memref_squeeze %dma_wait3A_80 : memref<1x128xi32, #tpu.memory_space<vmem>> -> memref<128xi32, #tpu.memory_space<vmem>>
        %dma_wait3A_82 = tpu.memref_slice %arg3[%run_scoped3A, %mul3A_64] : memref<2x320000xi32, #tpu.memory_space<hbm>> -> memref<1x128xi32, #tpu.memory_space<hbm>>
        %dma_wait3A_83 = tpu.memref_squeeze %dma_wait3A_82 : memref<1x128xi32, #tpu.memory_space<hbm>> -> memref<128xi32, #tpu.memory_space<hbm>>
        %dma_wait3A_84 = arith.constant 0 : i32
        %dma_wait3A_85 = tpu.memref_slice %arg8[%run_scoped3A_65, %dma_wait3A_84] : memref<4x128xi32, #tpu.memory_space<vmem>> -> memref<1x128xi32, #tpu.memory_space<vmem>>
        %dma_wait3A_86 = tpu.memref_squeeze %dma_wait3A_85 : memref<1x128xi32, #tpu.memory_space<vmem>> -> memref<128xi32, #tpu.memory_space<vmem>>
        %dma_wait3A_87 = tpu.memref_slice %arg3[%run_scoped3A, %mul3A_64] : memref<2x320000xi32, #tpu.memory_space<hbm>> -> memref<1x128xi32, #tpu.memory_space<hbm>>
        %dma_wait3A_88 = tpu.memref_squeeze %dma_wait3A_87 : memref<1x128xi32, #tpu.memory_space<hbm>> -> memref<128xi32, #tpu.memory_space<hbm>>
        tpu.wait_dma2 semaphore(%run_scoped3A_68 : memref<!tpu.dma_semaphore, #tpu.memory_space<semaphore_mem>>) src(%dma_wait3A_88 : memref<128xi32, #tpu.memory_space<hbm>>) dst(%dma_wait3A_86 : memref<128xi32, #tpu.memory_space<vmem>>)
        tpu.yield
      }) : () -> ()
      %run_scoped3A_66 = arith.constant 1 : i32
      %run_scoped3A_67 = arith.constant 0 : i32
      "tpu.region"() ({
        %run_scoped3A_68 = tpu.sem_alloc : memref<!tpu.dma_semaphore, #tpu.memory_space<semaphore_mem>>
        %dma_start3A_69 = arith.constant 0 : i32
        %dma_start3A_70 = tpu.memref_slice %arg9[%run_scoped3A_67, %dma_start3A_69] : memref<4x128xi32, #tpu.memory_space<vmem>> -> memref<1x128xi32, #tpu.memory_space<vmem>>
        %dma_start3A_71 = tpu.memref_squeeze %dma_start3A_70 : memref<1x128xi32, #tpu.memory_space<vmem>> -> memref<128xi32, #tpu.memory_space<vmem>>
        %dma_start3A_72 = tpu.memref_slice %arg3[%run_scoped3A_66, %mul3A_64] : memref<2x320000xi32, #tpu.memory_space<hbm>> -> memref<1x128xi32, #tpu.memory_space<hbm>>
        %dma_start3A_73 = tpu.memref_squeeze %dma_start3A_72 : memref<1x128xi32, #tpu.memory_space<hbm>> -> memref<128xi32, #tpu.memory_space<hbm>>
        %dma_start3A_74 = arith.constant 0 : i32
        %dma_start3A_75 = tpu.memref_slice %arg9[%run_scoped3A_67, %dma_start3A_74] : memref<4x128xi32, #tpu.memory_space<vmem>> -> memref<1x128xi32, #tpu.memory_space<vmem>>
        %dma_start3A_76 = tpu.memref_squeeze %dma_start3A_75 : memref<1x128xi32, #tpu.memory_space<vmem>> -> memref<128xi32, #tpu.memory_space<vmem>>
        %dma_start3A_77 = tpu.memref_slice %arg3[%run_scoped3A_66, %mul3A_64] : memref<2x320000xi32, #tpu.memory_space<hbm>> -> memref<1x128xi32, #tpu.memory_space<hbm>>
        %dma_start3A_78 = tpu.memref_squeeze %dma_start3A_77 : memref<1x128xi32, #tpu.memory_space<hbm>> -> memref<128xi32, #tpu.memory_space<hbm>>
        tpu.enqueue_dma source(%dma_start3A_78 : memref<128xi32, #tpu.memory_space<hbm>>) target(%dma_start3A_76 : memref<128xi32, #tpu.memory_space<vmem>>) target_semaphore(%run_scoped3A_68 : memref<!tpu.dma_semaphore, #tpu.memory_space<semaphore_mem>>)
        %dma_wait3A_79 = arith.constant 0 : i32
        %dma_wait3A_80 = tpu.memref_slice %arg9[%run_scoped3A_67, %dma_wait3A_79] : memref<4x128xi32, #tpu.memory_space<vmem>> -> memref<1x128xi32, #tpu.memory_space<vmem>>
        %dma_wait3A_81 = tpu.memref_squeeze %dma_wait3A_80 : memref<1x128xi32, #tpu.memory_space<vmem>> -> memref<128xi32, #tpu.memory_space<vmem>>
        %dma_wait3A_82 = tpu.memref_slice %arg3[%run_scoped3A_66, %mul3A_64] : memref<2x320000xi32, #tpu.memory_space<hbm>> -> memref<1x128xi32, #tpu.memory_space<hbm>>
        %dma_wait3A_83 = tpu.memref_squeeze %dma_wait3A_82 : memref<1x128xi32, #tpu.memory_space<hbm>> -> memref<128xi32, #tpu.memory_space<hbm>>
        %dma_wait3A_84 = arith.constant 0 : i32
        %dma_wait3A_85 = tpu.memref_slice %arg9[%run_scoped3A_67, %dma_wait3A_84] : memref<4x128xi32, #tpu.memory_space<vmem>> -> memref<1x128xi32, #tpu.memory_space<vmem>>
        %dma_wait3A_86 = tpu.memref_squeeze %dma_wait3A_85 : memref<1x128xi32, #tpu.memory_space<vmem>> -> memref<128xi32, #tpu.memory_space<vmem>>
        %dma_wait3A_87 = tpu.memref_slice %arg3[%run_scoped3A_66, %mul3A_64] : memref<2x320000xi32, #tpu.memory_space<hbm>> -> memref<1x128xi32, #tpu.memory_space<hbm>>
        %dma_wait3A_88 = tpu.memref_squeeze %dma_wait3A_87 : memref<1x128xi32, #tpu.memory_space<hbm>> -> memref<128xi32, #tpu.memory_space<hbm>>
        tpu.wait_dma2 semaphore(%run_scoped3A_68 : memref<!tpu.dma_semaphore, #tpu.memory_space<semaphore_mem>>) src(%dma_wait3A_88 : memref<128xi32, #tpu.memory_space<hbm>>) dst(%dma_wait3A_86 : memref<128xi32, #tpu.memory_space<vmem>>)
        tpu.yield
      }) : () -> ()
    } else {
    }
    %ge3A = arith.constant 2500 : i32
    %ge3A_7 = arith.cmpi sge, %add3A_4, %ge3A : i32
    %convert_element_type3A_8 = arith.extui %ge3A_7 : i1 to i32
    %cond3A_9 = arith.constant 0 : i32
    %cond3A_10 = arith.cmpi ne, %convert_element_type3A_8, %cond3A_9 : i32
    scf.if %cond3A_10 {
      %sub3A = arith.constant 2500 : i32
      %sub3A_63 = arith.subi %add3A_4, %sub3A : i32
      %run_scoped3A = arith.constant 0 : i32
      %run_scoped3A_64 = arith.constant 0 : i32
      "tpu.region"() ({
        %run_scoped3A_67 = tpu.sem_alloc : memref<!tpu.dma_semaphore, #tpu.memory_space<semaphore_mem>>
        %dma_start3A_68 = arith.constant 0 : i32
        %dma_start3A_69 = tpu.memref_slice %arg8[%run_scoped3A_64, %dma_start3A_68] : memref<4x128xi32, #tpu.memory_space<vmem>> -> memref<1x128xi32, #tpu.memory_space<vmem>>
        %dma_start3A_70 = tpu.memref_squeeze %dma_start3A_69 : memref<1x128xi32, #tpu.memory_space<vmem>> -> memref<128xi32, #tpu.memory_space<vmem>>
        %dma_start3A_71 = arith.constant 0 : i32
        %dma_start3A_72 = tpu.memref_slice %arg4[%sub3A_63, %run_scoped3A, %dma_start3A_71] : memref<60x2x128xi32, #tpu.memory_space<hbm>> -> memref<1x1x128xi32, #tpu.memory_space<hbm>>
        %dma_start3A_73 = tpu.memref_squeeze %dma_start3A_72 : memref<1x1x128xi32, #tpu.memory_space<hbm>> -> memref<128xi32, #tpu.memory_space<hbm>>
        %dma_start3A_74 = arith.constant 0 : i32
        %dma_start3A_75 = tpu.memref_slice %arg8[%run_scoped3A_64, %dma_start3A_74] : memref<4x128xi32, #tpu.memory_space<vmem>> -> memref<1x128xi32, #tpu.memory_space<vmem>>
        %dma_start3A_76 = tpu.memref_squeeze %dma_start3A_75 : memref<1x128xi32, #tpu.memory_space<vmem>> -> memref<128xi32, #tpu.memory_space<vmem>>
        %dma_start3A_77 = arith.constant 0 : i32
        %dma_start3A_78 = tpu.memref_slice %arg4[%sub3A_63, %run_scoped3A, %dma_start3A_77] : memref<60x2x128xi32, #tpu.memory_space<hbm>> -> memref<1x1x128xi32, #tpu.memory_space<hbm>>
        %dma_start3A_79 = tpu.memref_squeeze %dma_start3A_78 : memref<1x1x128xi32, #tpu.memory_space<hbm>> -> memref<128xi32, #tpu.memory_space<hbm>>
        tpu.enqueue_dma source(%dma_start3A_79 : memref<128xi32, #tpu.memory_space<hbm>>) target(%dma_start3A_76 : memref<128xi32, #tpu.memory_space<vmem>>) target_semaphore(%run_scoped3A_67 : memref<!tpu.dma_semaphore, #tpu.memory_space<semaphore_mem>>)
        %dma_wait3A_80 = arith.constant 0 : i32
        %dma_wait3A_81 = tpu.memref_slice %arg8[%run_scoped3A_64, %dma_wait3A_80] : memref<4x128xi32, #tpu.memory_space<vmem>> -> memref<1x128xi32, #tpu.memory_space<vmem>>
        %dma_wait3A_82 = tpu.memref_squeeze %dma_wait3A_81 : memref<1x128xi32, #tpu.memory_space<vmem>> -> memref<128xi32, #tpu.memory_space<vmem>>
        %dma_wait3A_83 = arith.constant 0 : i32
        %dma_wait3A_84 = tpu.memref_slice %arg4[%sub3A_63, %run_scoped3A, %dma_wait3A_83] : memref<60x2x128xi32, #tpu.memory_space<hbm>> -> memref<1x1x128xi32, #tpu.memory_space<hbm>>
        %dma_wait3A_85 = tpu.memref_squeeze %dma_wait3A_84 : memref<1x1x128xi32, #tpu.memory_space<hbm>> -> memref<128xi32, #tpu.memory_space<hbm>>
        %dma_wait3A_86 = arith.constant 0 : i32
        %dma_wait3A_87 = tpu.memref_slice %arg8[%run_scoped3A_64, %dma_wait3A_86] : memref<4x128xi32, #tpu.memory_space<vmem>> -> memref<1x128xi32, #tpu.memory_space<vmem>>
        %dma_wait3A_88 = tpu.memref_squeeze %dma_wait3A_87 : memref<1x128xi32, #tpu.memory_space<vmem>> -> memref<128xi32, #tpu.memory_space<vmem>>
        %dma_wait3A_89 = arith.constant 0 : i32
        %dma_wait3A_90 = tpu.memref_slice %arg4[%sub3A_63, %run_scoped3A, %dma_wait3A_89] : memref<60x2x128xi32, #tpu.memory_space<hbm>> -> memref<1x1x128xi32, #tpu.memory_space<hbm>>
        %dma_wait3A_91 = tpu.memref_squeeze %dma_wait3A_90 : memref<1x1x128xi32, #tpu.memory_space<hbm>> -> memref<128xi32, #tpu.memory_space<hbm>>
        tpu.wait_dma2 semaphore(%run_scoped3A_67 : memref<!tpu.dma_semaphore, #tpu.memory_space<semaphore_mem>>) src(%dma_wait3A_91 : memref<128xi32, #tpu.memory_space<hbm>>) dst(%dma_wait3A_88 : memref<128xi32, #tpu.memory_space<vmem>>)
        tpu.yield
      }) : () -> ()
      %run_scoped3A_65 = arith.constant 1 : i32
      %run_scoped3A_66 = arith.constant 0 : i32
      "tpu.region"() ({
        %run_scoped3A_67 = tpu.sem_alloc : memref<!tpu.dma_semaphore, #tpu.memory_space<semaphore_mem>>
        %dma_start3A_68 = arith.constant 0 : i32
        %dma_start3A_69 = tpu.memref_slice %arg9[%run_scoped3A_66, %dma_start3A_68] : memref<4x128xi32, #tpu.memory_space<vmem>> -> memref<1x128xi32, #tpu.memory_space<vmem>>
        %dma_start3A_70 = tpu.memref_squeeze %dma_start3A_69 : memref<1x128xi32, #tpu.memory_space<vmem>> -> memref<128xi32, #tpu.memory_space<vmem>>
        %dma_start3A_71 = arith.constant 0 : i32
        %dma_start3A_72 = tpu.memref_slice %arg4[%sub3A_63, %run_scoped3A_65, %dma_start3A_71] : memref<60x2x128xi32, #tpu.memory_space<hbm>> -> memref<1x1x128xi32, #tpu.memory_space<hbm>>
        %dma_start3A_73 = tpu.memref_squeeze %dma_start3A_72 : memref<1x1x128xi32, #tpu.memory_space<hbm>> -> memref<128xi32, #tpu.memory_space<hbm>>
        %dma_start3A_74 = arith.constant 0 : i32
        %dma_start3A_75 = tpu.memref_slice %arg9[%run_scoped3A_66, %dma_start3A_74] : memref<4x128xi32, #tpu.memory_space<vmem>> -> memref<1x128xi32, #tpu.memory_space<vmem>>
        %dma_start3A_76 = tpu.memref_squeeze %dma_start3A_75 : memref<1x128xi32, #tpu.memory_space<vmem>> -> memref<128xi32, #tpu.memory_space<vmem>>
        %dma_start3A_77 = arith.constant 0 : i32
        %dma_start3A_78 = tpu.memref_slice %arg4[%sub3A_63, %run_scoped3A_65, %dma_start3A_77] : memref<60x2x128xi32, #tpu.memory_space<hbm>> -> memref<1x1x128xi32, #tpu.memory_space<hbm>>
        %dma_start3A_79 = tpu.memref_squeeze %dma_start3A_78 : memref<1x1x128xi32, #tpu.memory_space<hbm>> -> memref<128xi32, #tpu.memory_space<hbm>>
        tpu.enqueue_dma source(%dma_start3A_79 : memref<128xi32, #tpu.memory_space<hbm>>) target(%dma_start3A_76 : memref<128xi32, #tpu.memory_space<vmem>>) target_semaphore(%run_scoped3A_67 : memref<!tpu.dma_semaphore, #tpu.memory_space<semaphore_mem>>)
        %dma_wait3A_80 = arith.constant 0 : i32
        %dma_wait3A_81 = tpu.memref_slice %arg9[%run_scoped3A_66, %dma_wait3A_80] : memref<4x128xi32, #tpu.memory_space<vmem>> -> memref<1x128xi32, #tpu.memory_space<vmem>>
        %dma_wait3A_82 = tpu.memref_squeeze %dma_wait3A_81 : memref<1x128xi32, #tpu.memory_space<vmem>> -> memref<128xi32, #tpu.memory_space<vmem>>
        %dma_wait3A_83 = arith.constant 0 : i32
        %dma_wait3A_84 = tpu.memref_slice %arg4[%sub3A_63, %run_scoped3A_65, %dma_wait3A_83] : memref<60x2x128xi32, #tpu.memory_space<hbm>> -> memref<1x1x128xi32, #tpu.memory_space<hbm>>
        %dma_wait3A_85 = tpu.memref_squeeze %dma_wait3A_84 : memref<1x1x128xi32, #tpu.memory_space<hbm>> -> memref<128xi32, #tpu.memory_space<hbm>>
        %dma_wait3A_86 = arith.constant 0 : i32
        %dma_wait3A_87 = tpu.memref_slice %arg9[%run_scoped3A_66, %dma_wait3A_86] : memref<4x128xi32, #tpu.memory_space<vmem>> -> memref<1x128xi32, #tpu.memory_space<vmem>>
        %dma_wait3A_88 = tpu.memref_squeeze %dma_wait3A_87 : memref<1x128xi32, #tpu.memory_space<vmem>> -> memref<128xi32, #tpu.memory_space<vmem>>
        %dma_wait3A_89 = arith.constant 0 : i32
        %dma_wait3A_90 = tpu.memref_slice %arg4[%sub3A_63, %run_scoped3A_65, %dma_wait3A_89] : memref<60x2x128xi32, #tpu.memory_space<hbm>> -> memref<1x1x128xi32, #tpu.memory_space<hbm>>
        %dma_wait3A_91 = tpu.memref_squeeze %dma_wait3A_90 : memref<1x1x128xi32, #tpu.memory_space<hbm>> -> memref<128xi32, #tpu.memory_space<hbm>>
        tpu.wait_dma2 semaphore(%run_scoped3A_67 : memref<!tpu.dma_semaphore, #tpu.memory_space<semaphore_mem>>) src(%dma_wait3A_91 : memref<128xi32, #tpu.memory_space<hbm>>) dst(%dma_wait3A_88 : memref<128xi32, #tpu.memory_space<vmem>>)
        tpu.yield
      }) : () -> ()
    } else {
    }
    %dma_start3A = arith.constant 0 : i32
    %dma_start3A_11 = arith.constant 0 : i32
    %dma_start3A_12 = arith.constant 0 : i32
    %dma_start3A_13 = arith.constant 0 : i32
    %dma_start3A_14 = tpu.memref_slice %arg10[%dma_start3A_11, %dma_start3A_12, %dma_start3A_13] : memref<2x128x128xf32, #tpu.memory_space<vmem>> -> memref<1x128x128xf32, #tpu.memory_space<vmem>>
    %dma_start3A_15 = tpu.memref_squeeze %dma_start3A_14 : memref<1x128x128xf32, #tpu.memory_space<vmem>> -> memref<128x128xf32, #tpu.memory_space<vmem>>
    %dma_start3A_16 = arith.constant 0 : i32
    %dma_start3A_17 = tpu.memref_slice %arg8[%dma_start3A, %dma_start3A_16] : memref<4x128xi32, #tpu.memory_space<vmem>> -> memref<1x128xi32, #tpu.memory_space<vmem>>
    %dma_start3A_18 = tpu.memref_squeeze %dma_start3A_17 : memref<1x128xi32, #tpu.memory_space<vmem>> -> memref<128xi32, #tpu.memory_space<vmem>>
    %dma_start3A_19 = arith.constant 0 : i32
    %dma_start3A_20 = arith.constant 0 : i32
    %dma_start3A_21 = tpu.memref_slice %arg2[%dma_start3A_19, %dma_start3A_20] : memref<10000x128xf32, #tpu.memory_space<hbm>> -> memref<10000x128xf32, #tpu.memory_space<hbm>>
    tpu.enqueue_indirect_dma source(%dma_start3A_21 : memref<10000x128xf32, #tpu.memory_space<hbm>>) target(%dma_start3A_15 : memref<128x128xf32, #tpu.memory_space<vmem>>) offsets(%dma_start3A_18 : memref<128xi32, #tpu.memory_space<vmem>>) semaphore(%arg11 : memref<!tpu.dma_semaphore, #tpu.memory_space<semaphore_mem>>)
    %add3A_22 = arith.constant 32 : i32
    %add3A_23 = arith.addi %add3A_22, %add3A : i32
    %lt3A_24 = arith.constant 2500 : i32
    %lt3A_25 = arith.cmpi slt, %add3A_23, %lt3A_24 : i32
    %convert_element_type3A_26 = arith.extui %lt3A_25 : i1 to i32
    %cond3A_27 = arith.constant 0 : i32
    %cond3A_28 = arith.cmpi ne, %convert_element_type3A_26, %cond3A_27 : i32
    scf.if %cond3A_28 {
      %mul3A_63 = arith.constant 128 : i32
      %mul3A_64 = arith.muli %add3A_23, %mul3A_63 : i32
      %dma_start3A_65 = arith.constant 0 : i32
      %dma_start3A_66 = arith.constant 1 : i32
      %dma_start3A_67 = arith.constant 0 : i32
      %dma_start3A_68 = tpu.memref_slice %arg8[%dma_start3A_66, %dma_start3A_67] : memref<4x128xi32, #tpu.memory_space<vmem>> -> memref<1x128xi32, #tpu.memory_space<vmem>>
      %dma_start3A_69 = tpu.memref_squeeze %dma_start3A_68 : memref<1x128xi32, #tpu.memory_space<vmem>> -> memref<128xi32, #tpu.memory_space<vmem>>
      %dma_start3A_70 = tpu.memref_slice %arg3[%dma_start3A_65, %mul3A_64] : memref<2x320000xi32, #tpu.memory_space<hbm>> -> memref<1x128xi32, #tpu.memory_space<hbm>>
      %dma_start3A_71 = tpu.memref_squeeze %dma_start3A_70 : memref<1x128xi32, #tpu.memory_space<hbm>> -> memref<128xi32, #tpu.memory_space<hbm>>
      %dma_start3A_72 = arith.constant 0 : i32
      %dma_start3A_73 = tpu.memref_slice %arg8[%dma_start3A_66, %dma_start3A_72] : memref<4x128xi32, #tpu.memory_space<vmem>> -> memref<1x128xi32, #tpu.memory_space<vmem>>
      %dma_start3A_74 = tpu.memref_squeeze %dma_start3A_73 : memref<1x128xi32, #tpu.memory_space<vmem>> -> memref<128xi32, #tpu.memory_space<vmem>>
      %dma_start3A_75 = tpu.memref_slice %arg3[%dma_start3A_65, %mul3A_64] : memref<2x320000xi32, #tpu.memory_space<hbm>> -> memref<1x128xi32, #tpu.memory_space<hbm>>
      %dma_start3A_76 = tpu.memref_squeeze %dma_start3A_75 : memref<1x128xi32, #tpu.memory_space<hbm>> -> memref<128xi32, #tpu.memory_space<hbm>>
      tpu.enqueue_dma source(%dma_start3A_76 : memref<128xi32, #tpu.memory_space<hbm>>) target(%dma_start3A_74 : memref<128xi32, #tpu.memory_space<vmem>>) target_semaphore(%arg13 : memref<!tpu.dma_semaphore, #tpu.memory_space<semaphore_mem>>)
      %dma_start3A_77 = arith.constant 1 : i32
      %dma_start3A_78 = arith.constant 1 : i32
      %dma_start3A_79 = arith.constant 0 : i32
      %dma_start3A_80 = tpu.memref_slice %arg9[%dma_start3A_78, %dma_start3A_79] : memref<4x128xi32, #tpu.memory_space<vmem>> -> memref<1x128xi32, #tpu.memory_space<vmem>>
      %dma_start3A_81 = tpu.memref_squeeze %dma_start3A_80 : memref<1x128xi32, #tpu.memory_space<vmem>> -> memref<128xi32, #tpu.memory_space<vmem>>
      %dma_start3A_82 = tpu.memref_slice %arg3[%dma_start3A_77, %mul3A_64] : memref<2x320000xi32, #tpu.memory_space<hbm>> -> memref<1x128xi32, #tpu.memory_space<hbm>>
      %dma_start3A_83 = tpu.memref_squeeze %dma_start3A_82 : memref<1x128xi32, #tpu.memory_space<hbm>> -> memref<128xi32, #tpu.memory_space<hbm>>
      %dma_start3A_84 = arith.constant 0 : i32
      %dma_start3A_85 = tpu.memref_slice %arg9[%dma_start3A_78, %dma_start3A_84] : memref<4x128xi32, #tpu.memory_space<vmem>> -> memref<1x128xi32, #tpu.memory_space<vmem>>
      %dma_start3A_86 = tpu.memref_squeeze %dma_start3A_85 : memref<1x128xi32, #tpu.memory_space<vmem>> -> memref<128xi32, #tpu.memory_space<vmem>>
      %dma_start3A_87 = tpu.memref_slice %arg3[%dma_start3A_77, %mul3A_64] : memref<2x320000xi32, #tpu.memory_space<hbm>> -> memref<1x128xi32, #tpu.memory_space<hbm>>
      %dma_start3A_88 = tpu.memref_squeeze %dma_start3A_87 : memref<1x128xi32, #tpu.memory_space<hbm>> -> memref<128xi32, #tpu.memory_space<hbm>>
      tpu.enqueue_dma source(%dma_start3A_88 : memref<128xi32, #tpu.memory_space<hbm>>) target(%dma_start3A_86 : memref<128xi32, #tpu.memory_space<vmem>>) target_semaphore(%arg13 : memref<!tpu.dma_semaphore, #tpu.memory_space<semaphore_mem>>)
    } else {
    }
    %ge3A_29 = arith.constant 2500 : i32
    %ge3A_30 = arith.cmpi sge, %add3A_23, %ge3A_29 : i32
    %convert_element_type3A_31 = arith.extui %ge3A_30 : i1 to i32
    %cond3A_32 = arith.constant 0 : i32
    %cond3A_33 = arith.cmpi ne, %convert_element_type3A_31, %cond3A_32 : i32
    scf.if %cond3A_33 {
      %sub3A = arith.constant 2500 : i32
      %sub3A_63 = arith.subi %add3A_23, %sub3A : i32
      %dma_start3A_64 = arith.constant 0 : i32
      %dma_start3A_65 = arith.constant 1 : i32
      %dma_start3A_66 = arith.constant 0 : i32
      %dma_start3A_67 = tpu.memref_slice %arg8[%dma_start3A_65, %dma_start3A_66] : memref<4x128xi32, #tpu.memory_space<vmem>> -> memref<1x128xi32, #tpu.memory_space<vmem>>
      %dma_start3A_68 = tpu.memref_squeeze %dma_start3A_67 : memref<1x128xi32, #tpu.memory_space<vmem>> -> memref<128xi32, #tpu.memory_space<vmem>>
      %dma_start3A_69 = arith.constant 0 : i32
      %dma_start3A_70 = tpu.memref_slice %arg4[%sub3A_63, %dma_start3A_64, %dma_start3A_69] : memref<60x2x128xi32, #tpu.memory_space<hbm>> -> memref<1x1x128xi32, #tpu.memory_space<hbm>>
      %dma_start3A_71 = tpu.memref_squeeze %dma_start3A_70 : memref<1x1x128xi32, #tpu.memory_space<hbm>> -> memref<128xi32, #tpu.memory_space<hbm>>
      %dma_start3A_72 = arith.constant 0 : i32
      %dma_start3A_73 = tpu.memref_slice %arg8[%dma_start3A_65, %dma_start3A_72] : memref<4x128xi32, #tpu.memory_space<vmem>> -> memref<1x128xi32, #tpu.memory_space<vmem>>
      %dma_start3A_74 = tpu.memref_squeeze %dma_start3A_73 : memref<1x128xi32, #tpu.memory_space<vmem>> -> memref<128xi32, #tpu.memory_space<vmem>>
      %dma_start3A_75 = arith.constant 0 : i32
      %dma_start3A_76 = tpu.memref_slice %arg4[%sub3A_63, %dma_start3A_64, %dma_start3A_75] : memref<60x2x128xi32, #tpu.memory_space<hbm>> -> memref<1x1x128xi32, #tpu.memory_space<hbm>>
      %dma_start3A_77 = tpu.memref_squeeze %dma_start3A_76 : memref<1x1x128xi32, #tpu.memory_space<hbm>> -> memref<128xi32, #tpu.memory_space<hbm>>
      tpu.enqueue_dma source(%dma_start3A_77 : memref<128xi32, #tpu.memory_space<hbm>>) target(%dma_start3A_74 : memref<128xi32, #tpu.memory_space<vmem>>) target_semaphore(%arg13 : memref<!tpu.dma_semaphore, #tpu.memory_space<semaphore_mem>>)
      %dma_start3A_78 = arith.constant 1 : i32
      %dma_start3A_79 = arith.constant 1 : i32
      %dma_start3A_80 = arith.constant 0 : i32
      %dma_start3A_81 = tpu.memref_slice %arg9[%dma_start3A_79, %dma_start3A_80] : memref<4x128xi32, #tpu.memory_space<vmem>> -> memref<1x128xi32, #tpu.memory_space<vmem>>
      %dma_start3A_82 = tpu.memref_squeeze %dma_start3A_81 : memref<1x128xi32, #tpu.memory_space<vmem>> -> memref<128xi32, #tpu.memory_space<vmem>>
      %dma_start3A_83 = arith.constant 0 : i32
      %dma_start3A_84 = tpu.memref_slice %arg4[%sub3A_63, %dma_start3A_78, %dma_start3A_83] : memref<60x2x128xi32, #tpu.memory_space<hbm>> -> memref<1x1x128xi32, #tpu.memory_space<hbm>>
      %dma_start3A_85 = tpu.memref_squeeze %dma_start3A_84 : memref<1x1x128xi32, #tpu.memory_space<hbm>> -> memref<128xi32, #tpu.memory_space<hbm>>
      %dma_start3A_86 = arith.constant 0 : i32
      %dma_start3A_87 = tpu.memref_slice %arg9[%dma_start3A_79, %dma_start3A_86] : memref<4x128xi32, #tpu.memory_space<vmem>> -> memref<1x128xi32, #tpu.memory_space<vmem>>
      %dma_start3A_88 = tpu.memref_squeeze %dma_start3A_87 : memref<1x128xi32, #tpu.memory_space<vmem>> -> memref<128xi32, #tpu.memory_space<vmem>>
      %dma_start3A_89 = arith.constant 0 : i32
      %dma_start3A_90 = tpu.memref_slice %arg4[%sub3A_63, %dma_start3A_78, %dma_start3A_89] : memref<60x2x128xi32, #tpu.memory_space<hbm>> -> memref<1x1x128xi32, #tpu.memory_space<hbm>>
      %dma_start3A_91 = tpu.memref_squeeze %dma_start3A_90 : memref<1x1x128xi32, #tpu.memory_space<hbm>> -> memref<128xi32, #tpu.memory_space<hbm>>
      tpu.enqueue_dma source(%dma_start3A_91 : memref<128xi32, #tpu.memory_space<hbm>>) target(%dma_start3A_88 : memref<128xi32, #tpu.memory_space<vmem>>) target_semaphore(%arg13 : memref<!tpu.dma_semaphore, #tpu.memory_space<semaphore_mem>>)
    } else {
    }
    %scan3A = arith.constant 0 : i32
    %scan3A_34 = arith.constant 0 : i32
    %scan3A_35 = arith.constant 20 : i32
    %scan3A_36 = arith.addi %scan3A_34, %scan3A_35 : i32
    %scan3A_37 = arith.constant 1 : i32
    scf.for %scan3A_63 = %scan3A_34 to %scan3A_36 step %scan3A_37  : i32 {
      %mul3A_64 = arith.constant 4 : i32
      %mul3A_65 = arith.muli %mul3A_64, %scan3A_63 : i32
      %add3A_66 = arith.constant 0 : i32
      %add3A_67 = arith.addi %mul3A_65, %add3A_66 : i32
      %ge3A_68 = arith.constant 1 : i32
      %ge3A_69 = arith.cmpi sge, %add3A_67, %ge3A_68 : i32
      %add3A_70 = arith.constant 1 : i32
      %add3A_71 = arith.addi %add3A_67, %add3A_70 : i32
      %lt3A_72 = arith.constant 80 : i32
      %lt3A_73 = arith.cmpi slt, %add3A_71, %lt3A_72 : i32
      %and3A = arith.andi %ge3A_69, %lt3A_73 : i1
      %convert_element_type3A_74 = arith.extui %and3A : i1 to i32
      %cond3A_75 = arith.constant 0 : i32
      %cond3A_76 = arith.cmpi ne, %convert_element_type3A_74, %cond3A_75 : i32
      scf.if %cond3A_76 {
        %dma_wait3A_271 = arith.constant 1 : i32
        %dma_wait3A_272 = arith.constant 3 : i32
        %dma_wait3A_273 = arith.constant 0 : i32
        %dma_wait3A_274 = arith.constant 0 : i32
        %dma_wait3A_275 = tpu.memref_slice %arg10[%dma_wait3A_271, %dma_wait3A_273, %dma_wait3A_274] : memref<2x128x128xf32, #tpu.memory_space<vmem>> -> memref<1x128x128xf32, #tpu.memory_space<vmem>>
        %dma_wait3A_276 = tpu.memref_squeeze %dma_wait3A_275 : memref<1x128x128xf32, #tpu.memory_space<vmem>> -> memref<128x128xf32, #tpu.memory_space<vmem>>
        %dma_wait3A_277 = arith.constant 0 : i32
        %dma_wait3A_278 = tpu.memref_slice %arg9[%dma_wait3A_272, %dma_wait3A_277] : memref<4x128xi32, #tpu.memory_space<vmem>> -> memref<1x128xi32, #tpu.memory_space<vmem>>
        %dma_wait3A_279 = tpu.memref_squeeze %dma_wait3A_278 : memref<1x128xi32, #tpu.memory_space<vmem>> -> memref<128xi32, #tpu.memory_space<vmem>>
        %dma_wait3A_280 = arith.constant 0 : i32
        %dma_wait3A_281 = arith.constant 0 : i32
        %dma_wait3A_282 = tpu.memref_slice %arg7[%dma_wait3A_280, %dma_wait3A_281] : memref<10240x128xf32, #tpu.memory_space<vmem_shared>> -> memref<10240x128xf32, #tpu.memory_space<vmem_shared>>
        tpu.wait_indirect_dma semaphore(%arg15 : memref<!tpu.dma_semaphore, #tpu.memory_space<semaphore_mem>>) src(%dma_wait3A_276 : memref<128x128xf32, #tpu.memory_space<vmem>>) dst(%dma_wait3A_282 : memref<10240x128xf32, #tpu.memory_space<vmem_shared>>)
      } else {
      }
      %add3A_77 = arith.constant 1 : i32
      %add3A_78 = arith.addi %add3A_67, %add3A_77 : i32
      %lt3A_79 = arith.constant 80 : i32
      %lt3A_80 = arith.cmpi slt, %add3A_78, %lt3A_79 : i32
      %convert_element_type3A_81 = arith.extui %lt3A_80 : i1 to i32
      %cond3A_82 = arith.constant 0 : i32
      %cond3A_83 = arith.cmpi ne, %convert_element_type3A_81, %cond3A_82 : i32
      scf.if %cond3A_83 {
        %dma_wait3A_271 = arith.constant 0 : i32
        %dma_wait3A_272 = arith.constant 1 : i32
        %dma_wait3A_273 = arith.constant 0 : i32
        %dma_wait3A_274 = tpu.memref_slice %arg8[%dma_wait3A_272, %dma_wait3A_273] : memref<4x128xi32, #tpu.memory_space<vmem>> -> memref<1x128xi32, #tpu.memory_space<vmem>>
        %dma_wait3A_275 = tpu.memref_squeeze %dma_wait3A_274 : memref<1x128xi32, #tpu.memory_space<vmem>> -> memref<128xi32, #tpu.memory_space<vmem>>
        %dma_wait3A_276 = arith.constant 0 : i32
        %dma_wait3A_277 = tpu.memref_slice %arg3[%dma_wait3A_271, %dma_wait3A_276] : memref<2x320000xi32, #tpu.memory_space<hbm>> -> memref<1x128xi32, #tpu.memory_space<hbm>>
        %dma_wait3A_278 = tpu.memref_squeeze %dma_wait3A_277 : memref<1x128xi32, #tpu.memory_space<hbm>> -> memref<128xi32, #tpu.memory_space<hbm>>
        %dma_wait3A_279 = arith.constant 0 : i32
        %dma_wait3A_280 = tpu.memref_slice %arg8[%dma_wait3A_272, %dma_wait3A_279] : memref<4x128xi32, #tpu.memory_space<vmem>> -> memref<1x128xi32, #tpu.memory_space<vmem>>
        %dma_wait3A_281 = tpu.memref_squeeze %dma_wait3A_280 : memref<1x128xi32, #tpu.memory_space<vmem>> -> memref<128xi32, #tpu.memory_space<vmem>>
        %dma_wait3A_282 = arith.constant 0 : i32
        %dma_wait3A_283 = tpu.memref_slice %arg3[%dma_wait3A_271, %dma_wait3A_282] : memref<2x320000xi32, #tpu.memory_space<hbm>> -> memref<1x128xi32, #tpu.memory_space<hbm>>
        %dma_wait3A_284 = tpu.memref_squeeze %dma_wait3A_283 : memref<1x128xi32, #tpu.memory_space<hbm>> -> memref<128xi32, #tpu.memory_space<hbm>>
        tpu.wait_dma2 semaphore(%arg13 : memref<!tpu.dma_semaphore, #tpu.memory_space<semaphore_mem>>) src(%dma_wait3A_284 : memref<128xi32, #tpu.memory_space<hbm>>) dst(%dma_wait3A_281 : memref<128xi32, #tpu.memory_space<vmem>>)
        %dma_wait3A_285 = arith.constant 1 : i32
        %dma_wait3A_286 = arith.constant 1 : i32
        %dma_wait3A_287 = arith.constant 0 : i32
        %dma_wait3A_288 = tpu.memref_slice %arg9[%dma_wait3A_286, %dma_wait3A_287] : memref<4x128xi32, #tpu.memory_space<vmem>> -> memref<1x128xi32, #tpu.memory_space<vmem>>
        %dma_wait3A_289 = tpu.memref_squeeze %dma_wait3A_288 : memref<1x128xi32, #tpu.memory_space<vmem>> -> memref<128xi32, #tpu.memory_space<vmem>>
        %dma_wait3A_290 = arith.constant 0 : i32
        %dma_wait3A_291 = tpu.memref_slice %arg3[%dma_wait3A_285, %dma_wait3A_290] : memref<2x320000xi32, #tpu.memory_space<hbm>> -> memref<1x128xi32, #tpu.memory_space<hbm>>
        %dma_wait3A_292 = tpu.memref_squeeze %dma_wait3A_291 : memref<1x128xi32, #tpu.memory_space<hbm>> -> memref<128xi32, #tpu.memory_space<hbm>>
        %dma_wait3A_293 = arith.constant 0 : i32
        %dma_wait3A_294 = tpu.memref_slice %arg9[%dma_wait3A_286, %dma_wait3A_293] : memref<4x128xi32, #tpu.memory_space<vmem>> -> memref<1x128xi32, #tpu.memory_space<vmem>>
        %dma_wait3A_295 = tpu.memref_squeeze %dma_wait3A_294 : memref<1x128xi32, #tpu.memory_space<vmem>> -> memref<128xi32, #tpu.memory_space<vmem>>
        %dma_wait3A_296 = arith.constant 0 : i32
        %dma_wait3A_297 = tpu.memref_slice %arg3[%dma_wait3A_285, %dma_wait3A_296] : memref<2x320000xi32, #tpu.memory_space<hbm>> -> memref<1x128xi32, #tpu.memory_space<hbm>>
        %dma_wait3A_298 = tpu.memref_squeeze %dma_wait3A_297 : memref<1x128xi32, #tpu.memory_space<hbm>> -> memref<128xi32, #tpu.memory_space<hbm>>
        tpu.wait_dma2 semaphore(%arg13 : memref<!tpu.dma_semaphore, #tpu.memory_space<semaphore_mem>>) src(%dma_wait3A_298 : memref<128xi32, #tpu.memory_space<hbm>>) dst(%dma_wait3A_295 : memref<128xi32, #tpu.memory_space<vmem>>)
        %dma_start3A_299 = arith.constant 1 : i32
        %dma_start3A_300 = arith.constant 1 : i32
        %dma_start3A_301 = arith.constant 0 : i32
        %dma_start3A_302 = arith.constant 0 : i32
        %dma_start3A_303 = tpu.memref_slice %arg10[%dma_start3A_300, %dma_start3A_301, %dma_start3A_302] : memref<2x128x128xf32, #tpu.memory_space<vmem>> -> memref<1x128x128xf32, #tpu.memory_space<vmem>>
        %dma_start3A_304 = tpu.memref_squeeze %dma_start3A_303 : memref<1x128x128xf32, #tpu.memory_space<vmem>> -> memref<128x128xf32, #tpu.memory_space<vmem>>
        %dma_start3A_305 = arith.constant 0 : i32
        %dma_start3A_306 = tpu.memref_slice %arg8[%dma_start3A_299, %dma_start3A_305] : memref<4x128xi32, #tpu.memory_space<vmem>> -> memref<1x128xi32, #tpu.memory_space<vmem>>
        %dma_start3A_307 = tpu.memref_squeeze %dma_start3A_306 : memref<1x128xi32, #tpu.memory_space<vmem>> -> memref<128xi32, #tpu.memory_space<vmem>>
        %dma_start3A_308 = arith.constant 0 : i32
        %dma_start3A_309 = arith.constant 0 : i32
        %dma_start3A_310 = tpu.memref_slice %arg2[%dma_start3A_308, %dma_start3A_309] : memref<10000x128xf32, #tpu.memory_space<hbm>> -> memref<10000x128xf32, #tpu.memory_space<hbm>>
        tpu.enqueue_indirect_dma source(%dma_start3A_310 : memref<10000x128xf32, #tpu.memory_space<hbm>>) target(%dma_start3A_304 : memref<128x128xf32, #tpu.memory_space<vmem>>) offsets(%dma_start3A_307 : memref<128xi32, #tpu.memory_space<vmem>>) semaphore(%arg12 : memref<!tpu.dma_semaphore, #tpu.memory_space<semaphore_mem>>)
      } else {
      }
      %add3A_84 = arith.constant 2 : i32
      %add3A_85 = arith.addi %add3A_67, %add3A_84 : i32
      %lt3A_86 = arith.constant 80 : i32
      %lt3A_87 = arith.cmpi slt, %add3A_85, %lt3A_86 : i32
      %convert_element_type3A_88 = arith.extui %lt3A_87 : i1 to i32
      %cond3A_89 = arith.constant 0 : i32
      %cond3A_90 = arith.cmpi ne, %convert_element_type3A_88, %cond3A_89 : i32
      scf.if %cond3A_90 {
        %add3A_271 = arith.constant 2 : i32
        %add3A_272 = arith.addi %add3A_67, %add3A_271 : i32
        %mul3A_273 = arith.constant 32 : i32
        %mul3A_274 = arith.muli %add3A_272, %mul3A_273 : i32
        %add3A_275 = arith.addi %mul3A_274, %add3A : i32
        %lt3A_276 = arith.constant 2500 : i32
        %lt3A_277 = arith.cmpi slt, %add3A_275, %lt3A_276 : i32
        %convert_element_type3A_278 = arith.extui %lt3A_277 : i1 to i32
        %cond3A_279 = arith.constant 0 : i32
        %cond3A_280 = arith.cmpi ne, %convert_element_type3A_278, %cond3A_279 : i32
        scf.if %cond3A_280 {
          %mul3A_286 = arith.constant 128 : i32
          %mul3A_287 = arith.muli %add3A_275, %mul3A_286 : i32
          %dma_start3A_288 = arith.constant 0 : i32
          %dma_start3A_289 = arith.constant 2 : i32
          %dma_start3A_290 = arith.constant 0 : i32
          %dma_start3A_291 = tpu.memref_slice %arg8[%dma_start3A_289, %dma_start3A_290] : memref<4x128xi32, #tpu.memory_space<vmem>> -> memref<1x128xi32, #tpu.memory_space<vmem>>
          %dma_start3A_292 = tpu.memref_squeeze %dma_start3A_291 : memref<1x128xi32, #tpu.memory_space<vmem>> -> memref<128xi32, #tpu.memory_space<vmem>>
          %dma_start3A_293 = tpu.memref_slice %arg3[%dma_start3A_288, %mul3A_287] : memref<2x320000xi32, #tpu.memory_space<hbm>> -> memref<1x128xi32, #tpu.memory_space<hbm>>
          %dma_start3A_294 = tpu.memref_squeeze %dma_start3A_293 : memref<1x128xi32, #tpu.memory_space<hbm>> -> memref<128xi32, #tpu.memory_space<hbm>>
          %dma_start3A_295 = arith.constant 0 : i32
          %dma_start3A_296 = tpu.memref_slice %arg8[%dma_start3A_289, %dma_start3A_295] : memref<4x128xi32, #tpu.memory_space<vmem>> -> memref<1x128xi32, #tpu.memory_space<vmem>>
          %dma_start3A_297 = tpu.memref_squeeze %dma_start3A_296 : memref<1x128xi32, #tpu.memory_space<vmem>> -> memref<128xi32, #tpu.memory_space<vmem>>
          %dma_start3A_298 = tpu.memref_slice %arg3[%dma_start3A_288, %mul3A_287] : memref<2x320000xi32, #tpu.memory_space<hbm>> -> memref<1x128xi32, #tpu.memory_space<hbm>>
          %dma_start3A_299 = tpu.memref_squeeze %dma_start3A_298 : memref<1x128xi32, #tpu.memory_space<hbm>> -> memref<128xi32, #tpu.memory_space<hbm>>
          tpu.enqueue_dma source(%dma_start3A_299 : memref<128xi32, #tpu.memory_space<hbm>>) target(%dma_start3A_297 : memref<128xi32, #tpu.memory_space<vmem>>) target_semaphore(%arg13 : memref<!tpu.dma_semaphore, #tpu.memory_space<semaphore_mem>>)
          %dma_start3A_300 = arith.constant 1 : i32
          %dma_start3A_301 = arith.constant 2 : i32
          %dma_start3A_302 = arith.constant 0 : i32
          %dma_start3A_303 = tpu.memref_slice %arg9[%dma_start3A_301, %dma_start3A_302] : memref<4x128xi32, #tpu.memory_space<vmem>> -> memref<1x128xi32, #tpu.memory_space<vmem>>
          %dma_start3A_304 = tpu.memref_squeeze %dma_start3A_303 : memref<1x128xi32, #tpu.memory_space<vmem>> -> memref<128xi32, #tpu.memory_space<vmem>>
          %dma_start3A_305 = tpu.memref_slice %arg3[%dma_start3A_300, %mul3A_287] : memref<2x320000xi32, #tpu.memory_space<hbm>> -> memref<1x128xi32, #tpu.memory_space<hbm>>
          %dma_start3A_306 = tpu.memref_squeeze %dma_start3A_305 : memref<1x128xi32, #tpu.memory_space<hbm>> -> memref<128xi32, #tpu.memory_space<hbm>>
          %dma_start3A_307 = arith.constant 0 : i32
          %dma_start3A_308 = tpu.memref_slice %arg9[%dma_start3A_301, %dma_start3A_307] : memref<4x128xi32, #tpu.memory_space<vmem>> -> memref<1x128xi32, #tpu.memory_space<vmem>>
          %dma_start3A_309 = tpu.memref_squeeze %dma_start3A_308 : memref<1x128xi32, #tpu.memory_space<vmem>> -> memref<128xi32, #tpu.memory_space<vmem>>
          %dma_start3A_310 = tpu.memref_slice %arg3[%dma_start3A_300, %mul3A_287] : memref<2x320000xi32, #tpu.memory_space<hbm>> -> memref<1x128xi32, #tpu.memory_space<hbm>>
          %dma_start3A_311 = tpu.memref_squeeze %dma_start3A_310 : memref<1x128xi32, #tpu.memory_space<hbm>> -> memref<128xi32, #tpu.memory_space<hbm>>
          tpu.enqueue_dma source(%dma_start3A_311 : memref<128xi32, #tpu.memory_space<hbm>>) target(%dma_start3A_309 : memref<128xi32, #tpu.memory_space<vmem>>) target_semaphore(%arg13 : memref<!tpu.dma_semaphore, #tpu.memory_space<semaphore_mem>>)
        } else {
        }
        %ge3A_281 = arith.constant 2500 : i32
        %ge3A_282 = arith.cmpi sge, %add3A_275, %ge3A_281 : i32
        %convert_element_type3A_283 = arith.extui %ge3A_282 : i1 to i32
        %cond3A_284 = arith.constant 0 : i32
        %cond3A_285 = arith.cmpi ne, %convert_element_type3A_283, %cond3A_284 : i32
        scf.if %cond3A_285 {
          %sub3A = arith.constant 2500 : i32
          %sub3A_286 = arith.subi %add3A_275, %sub3A : i32
          %dma_start3A_287 = arith.constant 0 : i32
          %dma_start3A_288 = arith.constant 2 : i32
          %dma_start3A_289 = arith.constant 0 : i32
          %dma_start3A_290 = tpu.memref_slice %arg8[%dma_start3A_288, %dma_start3A_289] : memref<4x128xi32, #tpu.memory_space<vmem>> -> memref<1x128xi32, #tpu.memory_space<vmem>>
          %dma_start3A_291 = tpu.memref_squeeze %dma_start3A_290 : memref<1x128xi32, #tpu.memory_space<vmem>> -> memref<128xi32, #tpu.memory_space<vmem>>
          %dma_start3A_292 = arith.constant 0 : i32
          %dma_start3A_293 = tpu.memref_slice %arg4[%sub3A_286, %dma_start3A_287, %dma_start3A_292] : memref<60x2x128xi32, #tpu.memory_space<hbm>> -> memref<1x1x128xi32, #tpu.memory_space<hbm>>
          %dma_start3A_294 = tpu.memref_squeeze %dma_start3A_293 : memref<1x1x128xi32, #tpu.memory_space<hbm>> -> memref<128xi32, #tpu.memory_space<hbm>>
          %dma_start3A_295 = arith.constant 0 : i32
          %dma_start3A_296 = tpu.memref_slice %arg8[%dma_start3A_288, %dma_start3A_295] : memref<4x128xi32, #tpu.memory_space<vmem>> -> memref<1x128xi32, #tpu.memory_space<vmem>>
          %dma_start3A_297 = tpu.memref_squeeze %dma_start3A_296 : memref<1x128xi32, #tpu.memory_space<vmem>> -> memref<128xi32, #tpu.memory_space<vmem>>
          %dma_start3A_298 = arith.constant 0 : i32
          %dma_start3A_299 = tpu.memref_slice %arg4[%sub3A_286, %dma_start3A_287, %dma_start3A_298] : memref<60x2x128xi32, #tpu.memory_space<hbm>> -> memref<1x1x128xi32, #tpu.memory_space<hbm>>
          %dma_start3A_300 = tpu.memref_squeeze %dma_start3A_299 : memref<1x1x128xi32, #tpu.memory_space<hbm>> -> memref<128xi32, #tpu.memory_space<hbm>>
          tpu.enqueue_dma source(%dma_start3A_300 : memref<128xi32, #tpu.memory_space<hbm>>) target(%dma_start3A_297 : memref<128xi32, #tpu.memory_space<vmem>>) target_semaphore(%arg13 : memref<!tpu.dma_semaphore, #tpu.memory_space<semaphore_mem>>)
          %dma_start3A_301 = arith.constant 1 : i32
          %dma_start3A_302 = arith.constant 2 : i32
          %dma_start3A_303 = arith.constant 0 : i32
          %dma_start3A_304 = tpu.memref_slice %arg9[%dma_start3A_302, %dma_start3A_303] : memref<4x128xi32, #tpu.memory_space<vmem>> -> memref<1x128xi32, #tpu.memory_space<vmem>>
          %dma_start3A_305 = tpu.memref_squeeze %dma_start3A_304 : memref<1x128xi32, #tpu.memory_space<vmem>> -> memref<128xi32, #tpu.memory_space<vmem>>
          %dma_start3A_306 = arith.constant 0 : i32
          %dma_start3A_307 = tpu.memref_slice %arg4[%sub3A_286, %dma_start3A_301, %dma_start3A_306] : memref<60x2x128xi32, #tpu.memory_space<hbm>> -> memref<1x1x128xi32, #tpu.memory_space<hbm>>
          %dma_start3A_308 = tpu.memref_squeeze %dma_start3A_307 : memref<1x1x128xi32, #tpu.memory_space<hbm>> -> memref<128xi32, #tpu.memory_space<hbm>>
          %dma_start3A_309 = arith.constant 0 : i32
          %dma_start3A_310 = tpu.memref_slice %arg9[%dma_start3A_302, %dma_start3A_309] : memref<4x128xi32, #tpu.memory_space<vmem>> -> memref<1x128xi32, #tpu.memory_space<vmem>>
          %dma_start3A_311 = tpu.memref_squeeze %dma_start3A_310 : memref<1x128xi32, #tpu.memory_space<vmem>> -> memref<128xi32, #tpu.memory_space<vmem>>
          %dma_start3A_312 = arith.constant 0 : i32
          %dma_start3A_313 = tpu.memref_slice %arg4[%sub3A_286, %dma_start3A_301, %dma_start3A_312] : memref<60x2x128xi32, #tpu.memory_space<hbm>> -> memref<1x1x128xi32, #tpu.memory_space<hbm>>
          %dma_start3A_314 = tpu.memref_squeeze %dma_start3A_313 : memref<1x1x128xi32, #tpu.memory_space<hbm>> -> memref<128xi32, #tpu.memory_space<hbm>>
          tpu.enqueue_dma source(%dma_start3A_314 : memref<128xi32, #tpu.memory_space<hbm>>) target(%dma_start3A_311 : memref<128xi32, #tpu.memory_space<vmem>>) target_semaphore(%arg13 : memref<!tpu.dma_semaphore, #tpu.memory_space<semaphore_mem>>)
        } else {
        }
      } else {
      }
      %dma_wait3A_91 = arith.constant 0 : i32
      %dma_wait3A_92 = arith.constant 0 : i32
      %dma_wait3A_93 = arith.constant 0 : i32
      %dma_wait3A_94 = arith.constant 0 : i32
      %dma_wait3A_95 = tpu.memref_slice %arg10[%dma_wait3A_92, %dma_wait3A_93, %dma_wait3A_94] : memref<2x128x128xf32, #tpu.memory_space<vmem>> -> memref<1x128x128xf32, #tpu.memory_space<vmem>>
      %dma_wait3A_96 = tpu.memref_squeeze %dma_wait3A_95 : memref<1x128x128xf32, #tpu.memory_space<vmem>> -> memref<128x128xf32, #tpu.memory_space<vmem>>
      %dma_wait3A_97 = arith.constant 0 : i32
      %dma_wait3A_98 = tpu.memref_slice %arg8[%dma_wait3A_91, %dma_wait3A_97] : memref<4x128xi32, #tpu.memory_space<vmem>> -> memref<1x128xi32, #tpu.memory_space<vmem>>
      %dma_wait3A_99 = tpu.memref_squeeze %dma_wait3A_98 : memref<1x128xi32, #tpu.memory_space<vmem>> -> memref<128xi32, #tpu.memory_space<vmem>>
      %dma_wait3A_100 = arith.constant 0 : i32
      %dma_wait3A_101 = arith.constant 0 : i32
      %dma_wait3A_102 = tpu.memref_slice %arg2[%dma_wait3A_100, %dma_wait3A_101] : memref<10000x128xf32, #tpu.memory_space<hbm>> -> memref<10000x128xf32, #tpu.memory_space<hbm>>
      tpu.wait_indirect_dma semaphore(%arg11 : memref<!tpu.dma_semaphore, #tpu.memory_space<semaphore_mem>>) src(%dma_wait3A_102 : memref<10000x128xf32, #tpu.memory_space<hbm>>) dst(%dma_wait3A_96 : memref<128x128xf32, #tpu.memory_space<vmem>>)
      %dma_start3A_103 = arith.constant 0 : i32
      %dma_start3A_104 = arith.constant 0 : i32
      %dma_start3A_105 = arith.constant 0 : i32
      %dma_start3A_106 = arith.constant 0 : i32
      %dma_start3A_107 = tpu.memref_slice %arg10[%dma_start3A_103, %dma_start3A_105, %dma_start3A_106] : memref<2x128x128xf32, #tpu.memory_space<vmem>> -> memref<1x128x128xf32, #tpu.memory_space<vmem>>
      %dma_start3A_108 = tpu.memref_squeeze %dma_start3A_107 : memref<1x128x128xf32, #tpu.memory_space<vmem>> -> memref<128x128xf32, #tpu.memory_space<vmem>>
      %dma_start3A_109 = arith.constant 0 : i32
      %dma_start3A_110 = tpu.memref_slice %arg9[%dma_start3A_104, %dma_start3A_109] : memref<4x128xi32, #tpu.memory_space<vmem>> -> memref<1x128xi32, #tpu.memory_space<vmem>>
      %dma_start3A_111 = tpu.memref_squeeze %dma_start3A_110 : memref<1x128xi32, #tpu.memory_space<vmem>> -> memref<128xi32, #tpu.memory_space<vmem>>
      %dma_start3A_112 = arith.constant 0 : i32
      %dma_start3A_113 = arith.constant 0 : i32
      %dma_start3A_114 = tpu.memref_slice %arg7[%dma_start3A_112, %dma_start3A_113] : memref<10240x128xf32, #tpu.memory_space<vmem_shared>> -> memref<10240x128xf32, #tpu.memory_space<vmem_shared>>
      tpu.enqueue_indirect_dma source(%dma_start3A_108 : memref<128x128xf32, #tpu.memory_space<vmem>>) target(%dma_start3A_114 : memref<10240x128xf32, #tpu.memory_space<vmem_shared>>) offsets(%dma_start3A_111 : memref<128xi32, #tpu.memory_space<vmem>>) semaphore(%arg14 : memref<!tpu.dma_semaphore, #tpu.memory_space<semaphore_mem>>) {add = true}
      %mul3A_115 = arith.constant 4 : i32
      %mul3A_116 = arith.muli %mul3A_115, %scan3A_63 : i32
      %add3A_117 = arith.constant 1 : i32
      %add3A_118 = arith.addi %mul3A_116, %add3A_117 : i32
      %ge3A_119 = arith.constant 1 : i32
      %ge3A_120 = arith.cmpi sge, %add3A_118, %ge3A_119 : i32
      %add3A_121 = arith.constant 1 : i32
      %add3A_122 = arith.addi %add3A_118, %add3A_121 : i32
      %lt3A_123 = arith.constant 80 : i32
      %lt3A_124 = arith.cmpi slt, %add3A_122, %lt3A_123 : i32
      %and3A_125 = arith.andi %ge3A_120, %lt3A_124 : i1
      %convert_element_type3A_126 = arith.extui %and3A_125 : i1 to i32
      %cond3A_127 = arith.constant 0 : i32
      %cond3A_128 = arith.cmpi ne, %convert_element_type3A_126, %cond3A_127 : i32
      scf.if %cond3A_128 {
        %dma_wait3A_271 = arith.constant 0 : i32
        %dma_wait3A_272 = arith.constant 0 : i32
        %dma_wait3A_273 = arith.constant 0 : i32
        %dma_wait3A_274 = arith.constant 0 : i32
        %dma_wait3A_275 = tpu.memref_slice %arg10[%dma_wait3A_271, %dma_wait3A_273, %dma_wait3A_274] : memref<2x128x128xf32, #tpu.memory_space<vmem>> -> memref<1x128x128xf32, #tpu.memory_space<vmem>>
        %dma_wait3A_276 = tpu.memref_squeeze %dma_wait3A_275 : memref<1x128x128xf32, #tpu.memory_space<vmem>> -> memref<128x128xf32, #tpu.memory_space<vmem>>
        %dma_wait3A_277 = arith.constant 0 : i32
        %dma_wait3A_278 = tpu.memref_slice %arg9[%dma_wait3A_272, %dma_wait3A_277] : memref<4x128xi32, #tpu.memory_space<vmem>> -> memref<1x128xi32, #tpu.memory_space<vmem>>
        %dma_wait3A_279 = tpu.memref_squeeze %dma_wait3A_278 : memref<1x128xi32, #tpu.memory_space<vmem>> -> memref<128xi32, #tpu.memory_space<vmem>>
        %dma_wait3A_280 = arith.constant 0 : i32
        %dma_wait3A_281 = arith.constant 0 : i32
        %dma_wait3A_282 = tpu.memref_slice %arg7[%dma_wait3A_280, %dma_wait3A_281] : memref<10240x128xf32, #tpu.memory_space<vmem_shared>> -> memref<10240x128xf32, #tpu.memory_space<vmem_shared>>
        tpu.wait_indirect_dma semaphore(%arg14 : memref<!tpu.dma_semaphore, #tpu.memory_space<semaphore_mem>>) src(%dma_wait3A_276 : memref<128x128xf32, #tpu.memory_space<vmem>>) dst(%dma_wait3A_282 : memref<10240x128xf32, #tpu.memory_space<vmem_shared>>)
      } else {
      }
      %add3A_129 = arith.constant 1 : i32
      %add3A_130 = arith.addi %add3A_118, %add3A_129 : i32
      %lt3A_131 = arith.constant 80 : i32
      %lt3A_132 = arith.cmpi slt, %add3A_130, %lt3A_131 : i32
      %convert_element_type3A_133 = arith.extui %lt3A_132 : i1 to i32
      %cond3A_134 = arith.constant 0 : i32
      %cond3A_135 = arith.cmpi ne, %convert_element_type3A_133, %cond3A_134 : i32
      scf.if %cond3A_135 {
        %dma_wait3A_271 = arith.constant 0 : i32
        %dma_wait3A_272 = arith.constant 2 : i32
        %dma_wait3A_273 = arith.constant 0 : i32
        %dma_wait3A_274 = tpu.memref_slice %arg8[%dma_wait3A_272, %dma_wait3A_273] : memref<4x128xi32, #tpu.memory_space<vmem>> -> memref<1x128xi32, #tpu.memory_space<vmem>>
        %dma_wait3A_275 = tpu.memref_squeeze %dma_wait3A_274 : memref<1x128xi32, #tpu.memory_space<vmem>> -> memref<128xi32, #tpu.memory_space<vmem>>
        %dma_wait3A_276 = arith.constant 0 : i32
        %dma_wait3A_277 = tpu.memref_slice %arg3[%dma_wait3A_271, %dma_wait3A_276] : memref<2x320000xi32, #tpu.memory_space<hbm>> -> memref<1x128xi32, #tpu.memory_space<hbm>>
        %dma_wait3A_278 = tpu.memref_squeeze %dma_wait3A_277 : memref<1x128xi32, #tpu.memory_space<hbm>> -> memref<128xi32, #tpu.memory_space<hbm>>
        %dma_wait3A_279 = arith.constant 0 : i32
        %dma_wait3A_280 = tpu.memref_slice %arg8[%dma_wait3A_272, %dma_wait3A_279] : memref<4x128xi32, #tpu.memory_space<vmem>> -> memref<1x128xi32, #tpu.memory_space<vmem>>
        %dma_wait3A_281 = tpu.memref_squeeze %dma_wait3A_280 : memref<1x128xi32, #tpu.memory_space<vmem>> -> memref<128xi32, #tpu.memory_space<vmem>>
        %dma_wait3A_282 = arith.constant 0 : i32
        %dma_wait3A_283 = tpu.memref_slice %arg3[%dma_wait3A_271, %dma_wait3A_282] : memref<2x320000xi32, #tpu.memory_space<hbm>> -> memref<1x128xi32, #tpu.memory_space<hbm>>
        %dma_wait3A_284 = tpu.memref_squeeze %dma_wait3A_283 : memref<1x128xi32, #tpu.memory_space<hbm>> -> memref<128xi32, #tpu.memory_space<hbm>>
        tpu.wait_dma2 semaphore(%arg13 : memref<!tpu.dma_semaphore, #tpu.memory_space<semaphore_mem>>) src(%dma_wait3A_284 : memref<128xi32, #tpu.memory_space<hbm>>) dst(%dma_wait3A_281 : memref<128xi32, #tpu.memory_space<vmem>>)
        %dma_wait3A_285 = arith.constant 1 : i32
        %dma_wait3A_286 = arith.constant 2 : i32
        %dma_wait3A_287 = arith.constant 0 : i32
        %dma_wait3A_288 = tpu.memref_slice %arg9[%dma_wait3A_286, %dma_wait3A_287] : memref<4x128xi32, #tpu.memory_space<vmem>> -> memref<1x128xi32, #tpu.memory_space<vmem>>
        %dma_wait3A_289 = tpu.memref_squeeze %dma_wait3A_288 : memref<1x128xi32, #tpu.memory_space<vmem>> -> memref<128xi32, #tpu.memory_space<vmem>>
        %dma_wait3A_290 = arith.constant 0 : i32
        %dma_wait3A_291 = tpu.memref_slice %arg3[%dma_wait3A_285, %dma_wait3A_290] : memref<2x320000xi32, #tpu.memory_space<hbm>> -> memref<1x128xi32, #tpu.memory_space<hbm>>
        %dma_wait3A_292 = tpu.memref_squeeze %dma_wait3A_291 : memref<1x128xi32, #tpu.memory_space<hbm>> -> memref<128xi32, #tpu.memory_space<hbm>>
        %dma_wait3A_293 = arith.constant 0 : i32
        %dma_wait3A_294 = tpu.memref_slice %arg9[%dma_wait3A_286, %dma_wait3A_293] : memref<4x128xi32, #tpu.memory_space<vmem>> -> memref<1x128xi32, #tpu.memory_space<vmem>>
        %dma_wait3A_295 = tpu.memref_squeeze %dma_wait3A_294 : memref<1x128xi32, #tpu.memory_space<vmem>> -> memref<128xi32, #tpu.memory_space<vmem>>
        %dma_wait3A_296 = arith.constant 0 : i32
        %dma_wait3A_297 = tpu.memref_slice %arg3[%dma_wait3A_285, %dma_wait3A_296] : memref<2x320000xi32, #tpu.memory_space<hbm>> -> memref<1x128xi32, #tpu.memory_space<hbm>>
        %dma_wait3A_298 = tpu.memref_squeeze %dma_wait3A_297 : memref<1x128xi32, #tpu.memory_space<hbm>> -> memref<128xi32, #tpu.memory_space<hbm>>
        tpu.wait_dma2 semaphore(%arg13 : memref<!tpu.dma_semaphore, #tpu.memory_space<semaphore_mem>>) src(%dma_wait3A_298 : memref<128xi32, #tpu.memory_space<hbm>>) dst(%dma_wait3A_295 : memref<128xi32, #tpu.memory_space<vmem>>)
        %dma_start3A_299 = arith.constant 2 : i32
        %dma_start3A_300 = arith.constant 0 : i32
        %dma_start3A_301 = arith.constant 0 : i32
        %dma_start3A_302 = arith.constant 0 : i32
        %dma_start3A_303 = tpu.memref_slice %arg10[%dma_start3A_300, %dma_start3A_301, %dma_start3A_302] : memref<2x128x128xf32, #tpu.memory_space<vmem>> -> memref<1x128x128xf32, #tpu.memory_space<vmem>>
        %dma_start3A_304 = tpu.memref_squeeze %dma_start3A_303 : memref<1x128x128xf32, #tpu.memory_space<vmem>> -> memref<128x128xf32, #tpu.memory_space<vmem>>
        %dma_start3A_305 = arith.constant 0 : i32
        %dma_start3A_306 = tpu.memref_slice %arg8[%dma_start3A_299, %dma_start3A_305] : memref<4x128xi32, #tpu.memory_space<vmem>> -> memref<1x128xi32, #tpu.memory_space<vmem>>
        %dma_start3A_307 = tpu.memref_squeeze %dma_start3A_306 : memref<1x128xi32, #tpu.memory_space<vmem>> -> memref<128xi32, #tpu.memory_space<vmem>>
        %dma_start3A_308 = arith.constant 0 : i32
        %dma_start3A_309 = arith.constant 0 : i32
        %dma_start3A_310 = tpu.memref_slice %arg2[%dma_start3A_308, %dma_start3A_309] : memref<10000x128xf32, #tpu.memory_space<hbm>> -> memref<10000x128xf32, #tpu.memory_space<hbm>>
        tpu.enqueue_indirect_dma source(%dma_start3A_310 : memref<10000x128xf32, #tpu.memory_space<hbm>>) target(%dma_start3A_304 : memref<128x128xf32, #tpu.memory_space<vmem>>) offsets(%dma_start3A_307 : memref<128xi32, #tpu.memory_space<vmem>>) semaphore(%arg11 : memref<!tpu.dma_semaphore, #tpu.memory_space<semaphore_mem>>)
      } else {
      }
      %add3A_136 = arith.constant 2 : i32
      %add3A_137 = arith.addi %add3A_118, %add3A_136 : i32
      %lt3A_138 = arith.constant 80 : i32
      %lt3A_139 = arith.cmpi slt, %add3A_137, %lt3A_138 : i32
      %convert_element_type3A_140 = arith.extui %lt3A_139 : i1 to i32
      %cond3A_141 = arith.constant 0 : i32
      %cond3A_142 = arith.cmpi ne, %convert_element_type3A_140, %cond3A_141 : i32
      scf.if %cond3A_142 {
        %add3A_271 = arith.constant 2 : i32
        %add3A_272 = arith.addi %add3A_118, %add3A_271 : i32
        %mul3A_273 = arith.constant 32 : i32
        %mul3A_274 = arith.muli %add3A_272, %mul3A_273 : i32
        %add3A_275 = arith.addi %mul3A_274, %add3A : i32
        %lt3A_276 = arith.constant 2500 : i32
        %lt3A_277 = arith.cmpi slt, %add3A_275, %lt3A_276 : i32
        %convert_element_type3A_278 = arith.extui %lt3A_277 : i1 to i32
        %cond3A_279 = arith.constant 0 : i32
        %cond3A_280 = arith.cmpi ne, %convert_element_type3A_278, %cond3A_279 : i32
        scf.if %cond3A_280 {
          %mul3A_286 = arith.constant 128 : i32
          %mul3A_287 = arith.muli %add3A_275, %mul3A_286 : i32
          %dma_start3A_288 = arith.constant 0 : i32
          %dma_start3A_289 = arith.constant 3 : i32
          %dma_start3A_290 = arith.constant 0 : i32
          %dma_start3A_291 = tpu.memref_slice %arg8[%dma_start3A_289, %dma_start3A_290] : memref<4x128xi32, #tpu.memory_space<vmem>> -> memref<1x128xi32, #tpu.memory_space<vmem>>
          %dma_start3A_292 = tpu.memref_squeeze %dma_start3A_291 : memref<1x128xi32, #tpu.memory_space<vmem>> -> memref<128xi32, #tpu.memory_space<vmem>>
          %dma_start3A_293 = tpu.memref_slice %arg3[%dma_start3A_288, %mul3A_287] : memref<2x320000xi32, #tpu.memory_space<hbm>> -> memref<1x128xi32, #tpu.memory_space<hbm>>
          %dma_start3A_294 = tpu.memref_squeeze %dma_start3A_293 : memref<1x128xi32, #tpu.memory_space<hbm>> -> memref<128xi32, #tpu.memory_space<hbm>>
          %dma_start3A_295 = arith.constant 0 : i32
          %dma_start3A_296 = tpu.memref_slice %arg8[%dma_start3A_289, %dma_start3A_295] : memref<4x128xi32, #tpu.memory_space<vmem>> -> memref<1x128xi32, #tpu.memory_space<vmem>>
          %dma_start3A_297 = tpu.memref_squeeze %dma_start3A_296 : memref<1x128xi32, #tpu.memory_space<vmem>> -> memref<128xi32, #tpu.memory_space<vmem>>
          %dma_start3A_298 = tpu.memref_slice %arg3[%dma_start3A_288, %mul3A_287] : memref<2x320000xi32, #tpu.memory_space<hbm>> -> memref<1x128xi32, #tpu.memory_space<hbm>>
          %dma_start3A_299 = tpu.memref_squeeze %dma_start3A_298 : memref<1x128xi32, #tpu.memory_space<hbm>> -> memref<128xi32, #tpu.memory_space<hbm>>
          tpu.enqueue_dma source(%dma_start3A_299 : memref<128xi32, #tpu.memory_space<hbm>>) target(%dma_start3A_297 : memref<128xi32, #tpu.memory_space<vmem>>) target_semaphore(%arg13 : memref<!tpu.dma_semaphore, #tpu.memory_space<semaphore_mem>>)
          %dma_start3A_300 = arith.constant 1 : i32
          %dma_start3A_301 = arith.constant 3 : i32
          %dma_start3A_302 = arith.constant 0 : i32
          %dma_start3A_303 = tpu.memref_slice %arg9[%dma_start3A_301, %dma_start3A_302] : memref<4x128xi32, #tpu.memory_space<vmem>> -> memref<1x128xi32, #tpu.memory_space<vmem>>
          %dma_start3A_304 = tpu.memref_squeeze %dma_start3A_303 : memref<1x128xi32, #tpu.memory_space<vmem>> -> memref<128xi32, #tpu.memory_space<vmem>>
          %dma_start3A_305 = tpu.memref_slice %arg3[%dma_start3A_300, %mul3A_287] : memref<2x320000xi32, #tpu.memory_space<hbm>> -> memref<1x128xi32, #tpu.memory_space<hbm>>
          %dma_start3A_306 = tpu.memref_squeeze %dma_start3A_305 : memref<1x128xi32, #tpu.memory_space<hbm>> -> memref<128xi32, #tpu.memory_space<hbm>>
          %dma_start3A_307 = arith.constant 0 : i32
          %dma_start3A_308 = tpu.memref_slice %arg9[%dma_start3A_301, %dma_start3A_307] : memref<4x128xi32, #tpu.memory_space<vmem>> -> memref<1x128xi32, #tpu.memory_space<vmem>>
          %dma_start3A_309 = tpu.memref_squeeze %dma_start3A_308 : memref<1x128xi32, #tpu.memory_space<vmem>> -> memref<128xi32, #tpu.memory_space<vmem>>
          %dma_start3A_310 = tpu.memref_slice %arg3[%dma_start3A_300, %mul3A_287] : memref<2x320000xi32, #tpu.memory_space<hbm>> -> memref<1x128xi32, #tpu.memory_space<hbm>>
          %dma_start3A_311 = tpu.memref_squeeze %dma_start3A_310 : memref<1x128xi32, #tpu.memory_space<hbm>> -> memref<128xi32, #tpu.memory_space<hbm>>
          tpu.enqueue_dma source(%dma_start3A_311 : memref<128xi32, #tpu.memory_space<hbm>>) target(%dma_start3A_309 : memref<128xi32, #tpu.memory_space<vmem>>) target_semaphore(%arg13 : memref<!tpu.dma_semaphore, #tpu.memory_space<semaphore_mem>>)
        } else {
        }
        %ge3A_281 = arith.constant 2500 : i32
        %ge3A_282 = arith.cmpi sge, %add3A_275, %ge3A_281 : i32
        %convert_element_type3A_283 = arith.extui %ge3A_282 : i1 to i32
        %cond3A_284 = arith.constant 0 : i32
        %cond3A_285 = arith.cmpi ne, %convert_element_type3A_283, %cond3A_284 : i32
        scf.if %cond3A_285 {
          %sub3A = arith.constant 2500 : i32
          %sub3A_286 = arith.subi %add3A_275, %sub3A : i32
          %dma_start3A_287 = arith.constant 0 : i32
          %dma_start3A_288 = arith.constant 3 : i32
          %dma_start3A_289 = arith.constant 0 : i32
          %dma_start3A_290 = tpu.memref_slice %arg8[%dma_start3A_288, %dma_start3A_289] : memref<4x128xi32, #tpu.memory_space<vmem>> -> memref<1x128xi32, #tpu.memory_space<vmem>>
          %dma_start3A_291 = tpu.memref_squeeze %dma_start3A_290 : memref<1x128xi32, #tpu.memory_space<vmem>> -> memref<128xi32, #tpu.memory_space<vmem>>
          %dma_start3A_292 = arith.constant 0 : i32
          %dma_start3A_293 = tpu.memref_slice %arg4[%sub3A_286, %dma_start3A_287, %dma_start3A_292] : memref<60x2x128xi32, #tpu.memory_space<hbm>> -> memref<1x1x128xi32, #tpu.memory_space<hbm>>
          %dma_start3A_294 = tpu.memref_squeeze %dma_start3A_293 : memref<1x1x128xi32, #tpu.memory_space<hbm>> -> memref<128xi32, #tpu.memory_space<hbm>>
          %dma_start3A_295 = arith.constant 0 : i32
          %dma_start3A_296 = tpu.memref_slice %arg8[%dma_start3A_288, %dma_start3A_295] : memref<4x128xi32, #tpu.memory_space<vmem>> -> memref<1x128xi32, #tpu.memory_space<vmem>>
          %dma_start3A_297 = tpu.memref_squeeze %dma_start3A_296 : memref<1x128xi32, #tpu.memory_space<vmem>> -> memref<128xi32, #tpu.memory_space<vmem>>
          %dma_start3A_298 = arith.constant 0 : i32
          %dma_start3A_299 = tpu.memref_slice %arg4[%sub3A_286, %dma_start3A_287, %dma_start3A_298] : memref<60x2x128xi32, #tpu.memory_space<hbm>> -> memref<1x1x128xi32, #tpu.memory_space<hbm>>
          %dma_start3A_300 = tpu.memref_squeeze %dma_start3A_299 : memref<1x1x128xi32, #tpu.memory_space<hbm>> -> memref<128xi32, #tpu.memory_space<hbm>>
          tpu.enqueue_dma source(%dma_start3A_300 : memref<128xi32, #tpu.memory_space<hbm>>) target(%dma_start3A_297 : memref<128xi32, #tpu.memory_space<vmem>>) target_semaphore(%arg13 : memref<!tpu.dma_semaphore, #tpu.memory_space<semaphore_mem>>)
          %dma_start3A_301 = arith.constant 1 : i32
          %dma_start3A_302 = arith.constant 3 : i32
          %dma_start3A_303 = arith.constant 0 : i32
          %dma_start3A_304 = tpu.memref_slice %arg9[%dma_start3A_302, %dma_start3A_303] : memref<4x128xi32, #tpu.memory_space<vmem>> -> memref<1x128xi32, #tpu.memory_space<vmem>>
          %dma_start3A_305 = tpu.memref_squeeze %dma_start3A_304 : memref<1x128xi32, #tpu.memory_space<vmem>> -> memref<128xi32, #tpu.memory_space<vmem>>
          %dma_start3A_306 = arith.constant 0 : i32
          %dma_start3A_307 = tpu.memref_slice %arg4[%sub3A_286, %dma_start3A_301, %dma_start3A_306] : memref<60x2x128xi32, #tpu.memory_space<hbm>> -> memref<1x1x128xi32, #tpu.memory_space<hbm>>
          %dma_start3A_308 = tpu.memref_squeeze %dma_start3A_307 : memref<1x1x128xi32, #tpu.memory_space<hbm>> -> memref<128xi32, #tpu.memory_space<hbm>>
          %dma_start3A_309 = arith.constant 0 : i32
          %dma_start3A_310 = tpu.memref_slice %arg9[%dma_start3A_302, %dma_start3A_309] : memref<4x128xi32, #tpu.memory_space<vmem>> -> memref<1x128xi32, #tpu.memory_space<vmem>>
          %dma_start3A_311 = tpu.memref_squeeze %dma_start3A_310 : memref<1x128xi32, #tpu.memory_space<vmem>> -> memref<128xi32, #tpu.memory_space<vmem>>
          %dma_start3A_312 = arith.constant 0 : i32
          %dma_start3A_313 = tpu.memref_slice %arg4[%sub3A_286, %dma_start3A_301, %dma_start3A_312] : memref<60x2x128xi32, #tpu.memory_space<hbm>> -> memref<1x1x128xi32, #tpu.memory_space<hbm>>
          %dma_start3A_314 = tpu.memref_squeeze %dma_start3A_313 : memref<1x1x128xi32, #tpu.memory_space<hbm>> -> memref<128xi32, #tpu.memory_space<hbm>>
          tpu.enqueue_dma source(%dma_start3A_314 : memref<128xi32, #tpu.memory_space<hbm>>) target(%dma_start3A_311 : memref<128xi32, #tpu.memory_space<vmem>>) target_semaphore(%arg13 : memref<!tpu.dma_semaphore, #tpu.memory_space<semaphore_mem>>)
        } else {
        }
      } else {
      }
      %dma_wait3A_143 = arith.constant 1 : i32
      %dma_wait3A_144 = arith.constant 1 : i32
      %dma_wait3A_145 = arith.constant 0 : i32
      %dma_wait3A_146 = arith.constant 0 : i32
      %dma_wait3A_147 = tpu.memref_slice %arg10[%dma_wait3A_144, %dma_wait3A_145, %dma_wait3A_146] : memref<2x128x128xf32, #tpu.memory_space<vmem>> -> memref<1x128x128xf32, #tpu.memory_space<vmem>>
      %dma_wait3A_148 = tpu.memref_squeeze %dma_wait3A_147 : memref<1x128x128xf32, #tpu.memory_space<vmem>> -> memref<128x128xf32, #tpu.memory_space<vmem>>
      %dma_wait3A_149 = arith.constant 0 : i32
      %dma_wait3A_150 = tpu.memref_slice %arg8[%dma_wait3A_143, %dma_wait3A_149] : memref<4x128xi32, #tpu.memory_space<vmem>> -> memref<1x128xi32, #tpu.memory_space<vmem>>
      %dma_wait3A_151 = tpu.memref_squeeze %dma_wait3A_150 : memref<1x128xi32, #tpu.memory_space<vmem>> -> memref<128xi32, #tpu.memory_space<vmem>>
      %dma_wait3A_152 = arith.constant 0 : i32
      %dma_wait3A_153 = arith.constant 0 : i32
      %dma_wait3A_154 = tpu.memref_slice %arg2[%dma_wait3A_152, %dma_wait3A_153] : memref<10000x128xf32, #tpu.memory_space<hbm>> -> memref<10000x128xf32, #tpu.memory_space<hbm>>
      tpu.wait_indirect_dma semaphore(%arg12 : memref<!tpu.dma_semaphore, #tpu.memory_space<semaphore_mem>>) src(%dma_wait3A_154 : memref<10000x128xf32, #tpu.memory_space<hbm>>) dst(%dma_wait3A_148 : memref<128x128xf32, #tpu.memory_space<vmem>>)
      %dma_start3A_155 = arith.constant 1 : i32
      %dma_start3A_156 = arith.constant 1 : i32
      %dma_start3A_157 = arith.constant 0 : i32
      %dma_start3A_158 = arith.constant 0 : i32
      %dma_start3A_159 = tpu.memref_slice %arg10[%dma_start3A_155, %dma_start3A_157, %dma_start3A_158] : memref<2x128x128xf32, #tpu.memory_space<vmem>> -> memref<1x128x128xf32, #tpu.memory_space<vmem>>
      %dma_start3A_160 = tpu.memref_squeeze %dma_start3A_159 : memref<1x128x128xf32, #tpu.memory_space<vmem>> -> memref<128x128xf32, #tpu.memory_space<vmem>>
      %dma_start3A_161 = arith.constant 0 : i32
      %dma_start3A_162 = tpu.memref_slice %arg9[%dma_start3A_156, %dma_start3A_161] : memref<4x128xi32, #tpu.memory_space<vmem>> -> memref<1x128xi32, #tpu.memory_space<vmem>>
      %dma_start3A_163 = tpu.memref_squeeze %dma_start3A_162 : memref<1x128xi32, #tpu.memory_space<vmem>> -> memref<128xi32, #tpu.memory_space<vmem>>
      %dma_start3A_164 = arith.constant 0 : i32
      %dma_start3A_165 = arith.constant 0 : i32
      %dma_start3A_166 = tpu.memref_slice %arg7[%dma_start3A_164, %dma_start3A_165] : memref<10240x128xf32, #tpu.memory_space<vmem_shared>> -> memref<10240x128xf32, #tpu.memory_space<vmem_shared>>
      tpu.enqueue_indirect_dma source(%dma_start3A_160 : memref<128x128xf32, #tpu.memory_space<vmem>>) target(%dma_start3A_166 : memref<10240x128xf32, #tpu.memory_space<vmem_shared>>) offsets(%dma_start3A_163 : memref<128xi32, #tpu.memory_space<vmem>>) semaphore(%arg15 : memref<!tpu.dma_semaphore, #tpu.memory_space<semaphore_mem>>) {add = true}
      %mul3A_167 = arith.constant 4 : i32
      %mul3A_168 = arith.muli %mul3A_167, %scan3A_63 : i32
      %add3A_169 = arith.constant 2 : i32
      %add3A_170 = arith.addi %mul3A_168, %add3A_169 : i32
      %ge3A_171 = arith.constant 1 : i32
      %ge3A_172 = arith.cmpi sge, %add3A_170, %ge3A_171 : i32
      %add3A_173 = arith.constant 1 : i32
      %add3A_174 = arith.addi %add3A_170, %add3A_173 : i32
      %lt3A_175 = arith.constant 80 : i32
      %lt3A_176 = arith.cmpi slt, %add3A_174, %lt3A_175 : i32
      %and3A_177 = arith.andi %ge3A_172, %lt3A_176 : i1
      %convert_element_type3A_178 = arith.extui %and3A_177 : i1 to i32
      %cond3A_179 = arith.constant 0 : i32
      %cond3A_180 = arith.cmpi ne, %convert_element_type3A_178, %cond3A_179 : i32
      scf.if %cond3A_180 {
        %dma_wait3A_271 = arith.constant 1 : i32
        %dma_wait3A_272 = arith.constant 1 : i32
        %dma_wait3A_273 = arith.constant 0 : i32
        %dma_wait3A_274 = arith.constant 0 : i32
        %dma_wait3A_275 = tpu.memref_slice %arg10[%dma_wait3A_271, %dma_wait3A_273, %dma_wait3A_274] : memref<2x128x128xf32, #tpu.memory_space<vmem>> -> memref<1x128x128xf32, #tpu.memory_space<vmem>>
        %dma_wait3A_276 = tpu.memref_squeeze %dma_wait3A_275 : memref<1x128x128xf32, #tpu.memory_space<vmem>> -> memref<128x128xf32, #tpu.memory_space<vmem>>
        %dma_wait3A_277 = arith.constant 0 : i32
        %dma_wait3A_278 = tpu.memref_slice %arg9[%dma_wait3A_272, %dma_wait3A_277] : memref<4x128xi32, #tpu.memory_space<vmem>> -> memref<1x128xi32, #tpu.memory_space<vmem>>
        %dma_wait3A_279 = tpu.memref_squeeze %dma_wait3A_278 : memref<1x128xi32, #tpu.memory_space<vmem>> -> memref<128xi32, #tpu.memory_space<vmem>>
        %dma_wait3A_280 = arith.constant 0 : i32
        %dma_wait3A_281 = arith.constant 0 : i32
        %dma_wait3A_282 = tpu.memref_slice %arg7[%dma_wait3A_280, %dma_wait3A_281] : memref<10240x128xf32, #tpu.memory_space<vmem_shared>> -> memref<10240x128xf32, #tpu.memory_space<vmem_shared>>
        tpu.wait_indirect_dma semaphore(%arg15 : memref<!tpu.dma_semaphore, #tpu.memory_space<semaphore_mem>>) src(%dma_wait3A_276 : memref<128x128xf32, #tpu.memory_space<vmem>>) dst(%dma_wait3A_282 : memref<10240x128xf32, #tpu.memory_space<vmem_shared>>)
      } else {
      }
      %add3A_181 = arith.constant 1 : i32
      %add3A_182 = arith.addi %add3A_170, %add3A_181 : i32
      %lt3A_183 = arith.constant 80 : i32
      %lt3A_184 = arith.cmpi slt, %add3A_182, %lt3A_183 : i32
      %convert_element_type3A_185 = arith.extui %lt3A_184 : i1 to i32
      %cond3A_186 = arith.constant 0 : i32
      %cond3A_187 = arith.cmpi ne, %convert_element_type3A_185, %cond3A_186 : i32
      scf.if %cond3A_187 {
        %dma_wait3A_271 = arith.constant 0 : i32
        %dma_wait3A_272 = arith.constant 3 : i32
        %dma_wait3A_273 = arith.constant 0 : i32
        %dma_wait3A_274 = tpu.memref_slice %arg8[%dma_wait3A_272, %dma_wait3A_273] : memref<4x128xi32, #tpu.memory_space<vmem>> -> memref<1x128xi32, #tpu.memory_space<vmem>>
        %dma_wait3A_275 = tpu.memref_squeeze %dma_wait3A_274 : memref<1x128xi32, #tpu.memory_space<vmem>> -> memref<128xi32, #tpu.memory_space<vmem>>
        %dma_wait3A_276 = arith.constant 0 : i32
        %dma_wait3A_277 = tpu.memref_slice %arg3[%dma_wait3A_271, %dma_wait3A_276] : memref<2x320000xi32, #tpu.memory_space<hbm>> -> memref<1x128xi32, #tpu.memory_space<hbm>>
        %dma_wait3A_278 = tpu.memref_squeeze %dma_wait3A_277 : memref<1x128xi32, #tpu.memory_space<hbm>> -> memref<128xi32, #tpu.memory_space<hbm>>
        %dma_wait3A_279 = arith.constant 0 : i32
        %dma_wait3A_280 = tpu.memref_slice %arg8[%dma_wait3A_272, %dma_wait3A_279] : memref<4x128xi32, #tpu.memory_space<vmem>> -> memref<1x128xi32, #tpu.memory_space<vmem>>
        %dma_wait3A_281 = tpu.memref_squeeze %dma_wait3A_280 : memref<1x128xi32, #tpu.memory_space<vmem>> -> memref<128xi32, #tpu.memory_space<vmem>>
        %dma_wait3A_282 = arith.constant 0 : i32
        %dma_wait3A_283 = tpu.memref_slice %arg3[%dma_wait3A_271, %dma_wait3A_282] : memref<2x320000xi32, #tpu.memory_space<hbm>> -> memref<1x128xi32, #tpu.memory_space<hbm>>
        %dma_wait3A_284 = tpu.memref_squeeze %dma_wait3A_283 : memref<1x128xi32, #tpu.memory_space<hbm>> -> memref<128xi32, #tpu.memory_space<hbm>>
        tpu.wait_dma2 semaphore(%arg13 : memref<!tpu.dma_semaphore, #tpu.memory_space<semaphore_mem>>) src(%dma_wait3A_284 : memref<128xi32, #tpu.memory_space<hbm>>) dst(%dma_wait3A_281 : memref<128xi32, #tpu.memory_space<vmem>>)
        %dma_wait3A_285 = arith.constant 1 : i32
        %dma_wait3A_286 = arith.constant 3 : i32
        %dma_wait3A_287 = arith.constant 0 : i32
        %dma_wait3A_288 = tpu.memref_slice %arg9[%dma_wait3A_286, %dma_wait3A_287] : memref<4x128xi32, #tpu.memory_space<vmem>> -> memref<1x128xi32, #tpu.memory_space<vmem>>
        %dma_wait3A_289 = tpu.memref_squeeze %dma_wait3A_288 : memref<1x128xi32, #tpu.memory_space<vmem>> -> memref<128xi32, #tpu.memory_space<vmem>>
        %dma_wait3A_290 = arith.constant 0 : i32
        %dma_wait3A_291 = tpu.memref_slice %arg3[%dma_wait3A_285, %dma_wait3A_290] : memref<2x320000xi32, #tpu.memory_space<hbm>> -> memref<1x128xi32, #tpu.memory_space<hbm>>
        %dma_wait3A_292 = tpu.memref_squeeze %dma_wait3A_291 : memref<1x128xi32, #tpu.memory_space<hbm>> -> memref<128xi32, #tpu.memory_space<hbm>>
        %dma_wait3A_293 = arith.constant 0 : i32
        %dma_wait3A_294 = tpu.memref_slice %arg9[%dma_wait3A_286, %dma_wait3A_293] : memref<4x128xi32, #tpu.memory_space<vmem>> -> memref<1x128xi32, #tpu.memory_space<vmem>>
        %dma_wait3A_295 = tpu.memref_squeeze %dma_wait3A_294 : memref<1x128xi32, #tpu.memory_space<vmem>> -> memref<128xi32, #tpu.memory_space<vmem>>
        %dma_wait3A_296 = arith.constant 0 : i32
        %dma_wait3A_297 = tpu.memref_slice %arg3[%dma_wait3A_285, %dma_wait3A_296] : memref<2x320000xi32, #tpu.memory_space<hbm>> -> memref<1x128xi32, #tpu.memory_space<hbm>>
        %dma_wait3A_298 = tpu.memref_squeeze %dma_wait3A_297 : memref<1x128xi32, #tpu.memory_space<hbm>> -> memref<128xi32, #tpu.memory_space<hbm>>
        tpu.wait_dma2 semaphore(%arg13 : memref<!tpu.dma_semaphore, #tpu.memory_space<semaphore_mem>>) src(%dma_wait3A_298 : memref<128xi32, #tpu.memory_space<hbm>>) dst(%dma_wait3A_295 : memref<128xi32, #tpu.memory_space<vmem>>)
        %dma_start3A_299 = arith.constant 3 : i32
        %dma_start3A_300 = arith.constant 1 : i32
        %dma_start3A_301 = arith.constant 0 : i32
        %dma_start3A_302 = arith.constant 0 : i32
        %dma_start3A_303 = tpu.memref_slice %arg10[%dma_start3A_300, %dma_start3A_301, %dma_start3A_302] : memref<2x128x128xf32, #tpu.memory_space<vmem>> -> memref<1x128x128xf32, #tpu.memory_space<vmem>>
        %dma_start3A_304 = tpu.memref_squeeze %dma_start3A_303 : memref<1x128x128xf32, #tpu.memory_space<vmem>> -> memref<128x128xf32, #tpu.memory_space<vmem>>
        %dma_start3A_305 = arith.constant 0 : i32
        %dma_start3A_306 = tpu.memref_slice %arg8[%dma_start3A_299, %dma_start3A_305] : memref<4x128xi32, #tpu.memory_space<vmem>> -> memref<1x128xi32, #tpu.memory_space<vmem>>
        %dma_start3A_307 = tpu.memref_squeeze %dma_start3A_306 : memref<1x128xi32, #tpu.memory_space<vmem>> -> memref<128xi32, #tpu.memory_space<vmem>>
        %dma_start3A_308 = arith.constant 0 : i32
        %dma_start3A_309 = arith.constant 0 : i32
        %dma_start3A_310 = tpu.memref_slice %arg2[%dma_start3A_308, %dma_start3A_309] : memref<10000x128xf32, #tpu.memory_space<hbm>> -> memref<10000x128xf32, #tpu.memory_space<hbm>>
        tpu.enqueue_indirect_dma source(%dma_start3A_310 : memref<10000x128xf32, #tpu.memory_space<hbm>>) target(%dma_start3A_304 : memref<128x128xf32, #tpu.memory_space<vmem>>) offsets(%dma_start3A_307 : memref<128xi32, #tpu.memory_space<vmem>>) semaphore(%arg12 : memref<!tpu.dma_semaphore, #tpu.memory_space<semaphore_mem>>)
      } else {
      }
      %add3A_188 = arith.constant 2 : i32
      %add3A_189 = arith.addi %add3A_170, %add3A_188 : i32
      %lt3A_190 = arith.constant 80 : i32
      %lt3A_191 = arith.cmpi slt, %add3A_189, %lt3A_190 : i32
      %convert_element_type3A_192 = arith.extui %lt3A_191 : i1 to i32
      %cond3A_193 = arith.constant 0 : i32
      %cond3A_194 = arith.cmpi ne, %convert_element_type3A_192, %cond3A_193 : i32
      scf.if %cond3A_194 {
        %add3A_271 = arith.constant 2 : i32
        %add3A_272 = arith.addi %add3A_170, %add3A_271 : i32
        %mul3A_273 = arith.constant 32 : i32
        %mul3A_274 = arith.muli %add3A_272, %mul3A_273 : i32
        %add3A_275 = arith.addi %mul3A_274, %add3A : i32
        %lt3A_276 = arith.constant 2500 : i32
        %lt3A_277 = arith.cmpi slt, %add3A_275, %lt3A_276 : i32
        %convert_element_type3A_278 = arith.extui %lt3A_277 : i1 to i32
        %cond3A_279 = arith.constant 0 : i32
        %cond3A_280 = arith.cmpi ne, %convert_element_type3A_278, %cond3A_279 : i32
        scf.if %cond3A_280 {
          %mul3A_286 = arith.constant 128 : i32
          %mul3A_287 = arith.muli %add3A_275, %mul3A_286 : i32
          %dma_start3A_288 = arith.constant 0 : i32
          %dma_start3A_289 = arith.constant 0 : i32
          %dma_start3A_290 = arith.constant 0 : i32
          %dma_start3A_291 = tpu.memref_slice %arg8[%dma_start3A_289, %dma_start3A_290] : memref<4x128xi32, #tpu.memory_space<vmem>> -> memref<1x128xi32, #tpu.memory_space<vmem>>
          %dma_start3A_292 = tpu.memref_squeeze %dma_start3A_291 : memref<1x128xi32, #tpu.memory_space<vmem>> -> memref<128xi32, #tpu.memory_space<vmem>>
          %dma_start3A_293 = tpu.memref_slice %arg3[%dma_start3A_288, %mul3A_287] : memref<2x320000xi32, #tpu.memory_space<hbm>> -> memref<1x128xi32, #tpu.memory_space<hbm>>
          %dma_start3A_294 = tpu.memref_squeeze %dma_start3A_293 : memref<1x128xi32, #tpu.memory_space<hbm>> -> memref<128xi32, #tpu.memory_space<hbm>>
          %dma_start3A_295 = arith.constant 0 : i32
          %dma_start3A_296 = tpu.memref_slice %arg8[%dma_start3A_289, %dma_start3A_295] : memref<4x128xi32, #tpu.memory_space<vmem>> -> memref<1x128xi32, #tpu.memory_space<vmem>>
          %dma_start3A_297 = tpu.memref_squeeze %dma_start3A_296 : memref<1x128xi32, #tpu.memory_space<vmem>> -> memref<128xi32, #tpu.memory_space<vmem>>
          %dma_start3A_298 = tpu.memref_slice %arg3[%dma_start3A_288, %mul3A_287] : memref<2x320000xi32, #tpu.memory_space<hbm>> -> memref<1x128xi32, #tpu.memory_space<hbm>>
          %dma_start3A_299 = tpu.memref_squeeze %dma_start3A_298 : memref<1x128xi32, #tpu.memory_space<hbm>> -> memref<128xi32, #tpu.memory_space<hbm>>
          tpu.enqueue_dma source(%dma_start3A_299 : memref<128xi32, #tpu.memory_space<hbm>>) target(%dma_start3A_297 : memref<128xi32, #tpu.memory_space<vmem>>) target_semaphore(%arg13 : memref<!tpu.dma_semaphore, #tpu.memory_space<semaphore_mem>>)
          %dma_start3A_300 = arith.constant 1 : i32
          %dma_start3A_301 = arith.constant 0 : i32
          %dma_start3A_302 = arith.constant 0 : i32
          %dma_start3A_303 = tpu.memref_slice %arg9[%dma_start3A_301, %dma_start3A_302] : memref<4x128xi32, #tpu.memory_space<vmem>> -> memref<1x128xi32, #tpu.memory_space<vmem>>
          %dma_start3A_304 = tpu.memref_squeeze %dma_start3A_303 : memref<1x128xi32, #tpu.memory_space<vmem>> -> memref<128xi32, #tpu.memory_space<vmem>>
          %dma_start3A_305 = tpu.memref_slice %arg3[%dma_start3A_300, %mul3A_287] : memref<2x320000xi32, #tpu.memory_space<hbm>> -> memref<1x128xi32, #tpu.memory_space<hbm>>
          %dma_start3A_306 = tpu.memref_squeeze %dma_start3A_305 : memref<1x128xi32, #tpu.memory_space<hbm>> -> memref<128xi32, #tpu.memory_space<hbm>>
          %dma_start3A_307 = arith.constant 0 : i32
          %dma_start3A_308 = tpu.memref_slice %arg9[%dma_start3A_301, %dma_start3A_307] : memref<4x128xi32, #tpu.memory_space<vmem>> -> memref<1x128xi32, #tpu.memory_space<vmem>>
          %dma_start3A_309 = tpu.memref_squeeze %dma_start3A_308 : memref<1x128xi32, #tpu.memory_space<vmem>> -> memref<128xi32, #tpu.memory_space<vmem>>
          %dma_start3A_310 = tpu.memref_slice %arg3[%dma_start3A_300, %mul3A_287] : memref<2x320000xi32, #tpu.memory_space<hbm>> -> memref<1x128xi32, #tpu.memory_space<hbm>>
          %dma_start3A_311 = tpu.memref_squeeze %dma_start3A_310 : memref<1x128xi32, #tpu.memory_space<hbm>> -> memref<128xi32, #tpu.memory_space<hbm>>
          tpu.enqueue_dma source(%dma_start3A_311 : memref<128xi32, #tpu.memory_space<hbm>>) target(%dma_start3A_309 : memref<128xi32, #tpu.memory_space<vmem>>) target_semaphore(%arg13 : memref<!tpu.dma_semaphore, #tpu.memory_space<semaphore_mem>>)
        } else {
        }
        %ge3A_281 = arith.constant 2500 : i32
        %ge3A_282 = arith.cmpi sge, %add3A_275, %ge3A_281 : i32
        %convert_element_type3A_283 = arith.extui %ge3A_282 : i1 to i32
        %cond3A_284 = arith.constant 0 : i32
        %cond3A_285 = arith.cmpi ne, %convert_element_type3A_283, %cond3A_284 : i32
        scf.if %cond3A_285 {
          %sub3A = arith.constant 2500 : i32
          %sub3A_286 = arith.subi %add3A_275, %sub3A : i32
          %dma_start3A_287 = arith.constant 0 : i32
          %dma_start3A_288 = arith.constant 0 : i32
          %dma_start3A_289 = arith.constant 0 : i32
          %dma_start3A_290 = tpu.memref_slice %arg8[%dma_start3A_288, %dma_start3A_289] : memref<4x128xi32, #tpu.memory_space<vmem>> -> memref<1x128xi32, #tpu.memory_space<vmem>>
          %dma_start3A_291 = tpu.memref_squeeze %dma_start3A_290 : memref<1x128xi32, #tpu.memory_space<vmem>> -> memref<128xi32, #tpu.memory_space<vmem>>
          %dma_start3A_292 = arith.constant 0 : i32
          %dma_start3A_293 = tpu.memref_slice %arg4[%sub3A_286, %dma_start3A_287, %dma_start3A_292] : memref<60x2x128xi32, #tpu.memory_space<hbm>> -> memref<1x1x128xi32, #tpu.memory_space<hbm>>
          %dma_start3A_294 = tpu.memref_squeeze %dma_start3A_293 : memref<1x1x128xi32, #tpu.memory_space<hbm>> -> memref<128xi32, #tpu.memory_space<hbm>>
          %dma_start3A_295 = arith.constant 0 : i32
          %dma_start3A_296 = tpu.memref_slice %arg8[%dma_start3A_288, %dma_start3A_295] : memref<4x128xi32, #tpu.memory_space<vmem>> -> memref<1x128xi32, #tpu.memory_space<vmem>>
          %dma_start3A_297 = tpu.memref_squeeze %dma_start3A_296 : memref<1x128xi32, #tpu.memory_space<vmem>> -> memref<128xi32, #tpu.memory_space<vmem>>
          %dma_start3A_298 = arith.constant 0 : i32
          %dma_start3A_299 = tpu.memref_slice %arg4[%sub3A_286, %dma_start3A_287, %dma_start3A_298] : memref<60x2x128xi32, #tpu.memory_space<hbm>> -> memref<1x1x128xi32, #tpu.memory_space<hbm>>
          %dma_start3A_300 = tpu.memref_squeeze %dma_start3A_299 : memref<1x1x128xi32, #tpu.memory_space<hbm>> -> memref<128xi32, #tpu.memory_space<hbm>>
          tpu.enqueue_dma source(%dma_start3A_300 : memref<128xi32, #tpu.memory_space<hbm>>) target(%dma_start3A_297 : memref<128xi32, #tpu.memory_space<vmem>>) target_semaphore(%arg13 : memref<!tpu.dma_semaphore, #tpu.memory_space<semaphore_mem>>)
          %dma_start3A_301 = arith.constant 1 : i32
          %dma_start3A_302 = arith.constant 0 : i32
          %dma_start3A_303 = arith.constant 0 : i32
          %dma_start3A_304 = tpu.memref_slice %arg9[%dma_start3A_302, %dma_start3A_303] : memref<4x128xi32, #tpu.memory_space<vmem>> -> memref<1x128xi32, #tpu.memory_space<vmem>>
          %dma_start3A_305 = tpu.memref_squeeze %dma_start3A_304 : memref<1x128xi32, #tpu.memory_space<vmem>> -> memref<128xi32, #tpu.memory_space<vmem>>
          %dma_start3A_306 = arith.constant 0 : i32
          %dma_start3A_307 = tpu.memref_slice %arg4[%sub3A_286, %dma_start3A_301, %dma_start3A_306] : memref<60x2x128xi32, #tpu.memory_space<hbm>> -> memref<1x1x128xi32, #tpu.memory_space<hbm>>
          %dma_start3A_308 = tpu.memref_squeeze %dma_start3A_307 : memref<1x1x128xi32, #tpu.memory_space<hbm>> -> memref<128xi32, #tpu.memory_space<hbm>>
          %dma_start3A_309 = arith.constant 0 : i32
          %dma_start3A_310 = tpu.memref_slice %arg9[%dma_start3A_302, %dma_start3A_309] : memref<4x128xi32, #tpu.memory_space<vmem>> -> memref<1x128xi32, #tpu.memory_space<vmem>>
          %dma_start3A_311 = tpu.memref_squeeze %dma_start3A_310 : memref<1x128xi32, #tpu.memory_space<vmem>> -> memref<128xi32, #tpu.memory_space<vmem>>
          %dma_start3A_312 = arith.constant 0 : i32
          %dma_start3A_313 = tpu.memref_slice %arg4[%sub3A_286, %dma_start3A_301, %dma_start3A_312] : memref<60x2x128xi32, #tpu.memory_space<hbm>> -> memref<1x1x128xi32, #tpu.memory_space<hbm>>
          %dma_start3A_314 = tpu.memref_squeeze %dma_start3A_313 : memref<1x1x128xi32, #tpu.memory_space<hbm>> -> memref<128xi32, #tpu.memory_space<hbm>>
          tpu.enqueue_dma source(%dma_start3A_314 : memref<128xi32, #tpu.memory_space<hbm>>) target(%dma_start3A_311 : memref<128xi32, #tpu.memory_space<vmem>>) target_semaphore(%arg13 : memref<!tpu.dma_semaphore, #tpu.memory_space<semaphore_mem>>)
        } else {
        }
      } else {
      }
      %dma_wait3A_195 = arith.constant 2 : i32
      %dma_wait3A_196 = arith.constant 0 : i32
      %dma_wait3A_197 = arith.constant 0 : i32
      %dma_wait3A_198 = arith.constant 0 : i32
      %dma_wait3A_199 = tpu.memref_slice %arg10[%dma_wait3A_196, %dma_wait3A_197, %dma_wait3A_198] : memref<2x128x128xf32, #tpu.memory_space<vmem>> -> memref<1x128x128xf32, #tpu.memory_space<vmem>>
      %dma_wait3A_200 = tpu.memref_squeeze %dma_wait3A_199 : memref<1x128x128xf32, #tpu.memory_space<vmem>> -> memref<128x128xf32, #tpu.memory_space<vmem>>
      %dma_wait3A_201 = arith.constant 0 : i32
      %dma_wait3A_202 = tpu.memref_slice %arg8[%dma_wait3A_195, %dma_wait3A_201] : memref<4x128xi32, #tpu.memory_space<vmem>> -> memref<1x128xi32, #tpu.memory_space<vmem>>
      %dma_wait3A_203 = tpu.memref_squeeze %dma_wait3A_202 : memref<1x128xi32, #tpu.memory_space<vmem>> -> memref<128xi32, #tpu.memory_space<vmem>>
      %dma_wait3A_204 = arith.constant 0 : i32
      %dma_wait3A_205 = arith.constant 0 : i32
      %dma_wait3A_206 = tpu.memref_slice %arg2[%dma_wait3A_204, %dma_wait3A_205] : memref<10000x128xf32, #tpu.memory_space<hbm>> -> memref<10000x128xf32, #tpu.memory_space<hbm>>
      tpu.wait_indirect_dma semaphore(%arg11 : memref<!tpu.dma_semaphore, #tpu.memory_space<semaphore_mem>>) src(%dma_wait3A_206 : memref<10000x128xf32, #tpu.memory_space<hbm>>) dst(%dma_wait3A_200 : memref<128x128xf32, #tpu.memory_space<vmem>>)
      %dma_start3A_207 = arith.constant 0 : i32
      %dma_start3A_208 = arith.constant 2 : i32
      %dma_start3A_209 = arith.constant 0 : i32
      %dma_start3A_210 = arith.constant 0 : i32
      %dma_start3A_211 = tpu.memref_slice %arg10[%dma_start3A_207, %dma_start3A_209, %dma_start3A_210] : memref<2x128x128xf32, #tpu.memory_space<vmem>> -> memref<1x128x128xf32, #tpu.memory_space<vmem>>
      %dma_start3A_212 = tpu.memref_squeeze %dma_start3A_211 : memref<1x128x128xf32, #tpu.memory_space<vmem>> -> memref<128x128xf32, #tpu.memory_space<vmem>>
      %dma_start3A_213 = arith.constant 0 : i32
      %dma_start3A_214 = tpu.memref_slice %arg9[%dma_start3A_208, %dma_start3A_213] : memref<4x128xi32, #tpu.memory_space<vmem>> -> memref<1x128xi32, #tpu.memory_space<vmem>>
      %dma_start3A_215 = tpu.memref_squeeze %dma_start3A_214 : memref<1x128xi32, #tpu.memory_space<vmem>> -> memref<128xi32, #tpu.memory_space<vmem>>
      %dma_start3A_216 = arith.constant 0 : i32
      %dma_start3A_217 = arith.constant 0 : i32
      %dma_start3A_218 = tpu.memref_slice %arg7[%dma_start3A_216, %dma_start3A_217] : memref<10240x128xf32, #tpu.memory_space<vmem_shared>> -> memref<10240x128xf32, #tpu.memory_space<vmem_shared>>
      tpu.enqueue_indirect_dma source(%dma_start3A_212 : memref<128x128xf32, #tpu.memory_space<vmem>>) target(%dma_start3A_218 : memref<10240x128xf32, #tpu.memory_space<vmem_shared>>) offsets(%dma_start3A_215 : memref<128xi32, #tpu.memory_space<vmem>>) semaphore(%arg14 : memref<!tpu.dma_semaphore, #tpu.memory_space<semaphore_mem>>) {add = true}
      %mul3A_219 = arith.constant 4 : i32
      %mul3A_220 = arith.muli %mul3A_219, %scan3A_63 : i32
      %add3A_221 = arith.constant 3 : i32
      %add3A_222 = arith.addi %mul3A_220, %add3A_221 : i32
      %ge3A_223 = arith.constant 1 : i32
      %ge3A_224 = arith.cmpi sge, %add3A_222, %ge3A_223 : i32
      %add3A_225 = arith.constant 1 : i32
      %add3A_226 = arith.addi %add3A_222, %add3A_225 : i32
      %lt3A_227 = arith.constant 80 : i32
      %lt3A_228 = arith.cmpi slt, %add3A_226, %lt3A_227 : i32
      %and3A_229 = arith.andi %ge3A_224, %lt3A_228 : i1
      %convert_element_type3A_230 = arith.extui %and3A_229 : i1 to i32
      %cond3A_231 = arith.constant 0 : i32
      %cond3A_232 = arith.cmpi ne, %convert_element_type3A_230, %cond3A_231 : i32
      scf.if %cond3A_232 {
        %dma_wait3A_271 = arith.constant 0 : i32
        %dma_wait3A_272 = arith.constant 2 : i32
        %dma_wait3A_273 = arith.constant 0 : i32
        %dma_wait3A_274 = arith.constant 0 : i32
        %dma_wait3A_275 = tpu.memref_slice %arg10[%dma_wait3A_271, %dma_wait3A_273, %dma_wait3A_274] : memref<2x128x128xf32, #tpu.memory_space<vmem>> -> memref<1x128x128xf32, #tpu.memory_space<vmem>>
        %dma_wait3A_276 = tpu.memref_squeeze %dma_wait3A_275 : memref<1x128x128xf32, #tpu.memory_space<vmem>> -> memref<128x128xf32, #tpu.memory_space<vmem>>
        %dma_wait3A_277 = arith.constant 0 : i32
        %dma_wait3A_278 = tpu.memref_slice %arg9[%dma_wait3A_272, %dma_wait3A_277] : memref<4x128xi32, #tpu.memory_space<vmem>> -> memref<1x128xi32, #tpu.memory_space<vmem>>
        %dma_wait3A_279 = tpu.memref_squeeze %dma_wait3A_278 : memref<1x128xi32, #tpu.memory_space<vmem>> -> memref<128xi32, #tpu.memory_space<vmem>>
        %dma_wait3A_280 = arith.constant 0 : i32
        %dma_wait3A_281 = arith.constant 0 : i32
        %dma_wait3A_282 = tpu.memref_slice %arg7[%dma_wait3A_280, %dma_wait3A_281] : memref<10240x128xf32, #tpu.memory_space<vmem_shared>> -> memref<10240x128xf32, #tpu.memory_space<vmem_shared>>
        tpu.wait_indirect_dma semaphore(%arg14 : memref<!tpu.dma_semaphore, #tpu.memory_space<semaphore_mem>>) src(%dma_wait3A_276 : memref<128x128xf32, #tpu.memory_space<vmem>>) dst(%dma_wait3A_282 : memref<10240x128xf32, #tpu.memory_space<vmem_shared>>)
      } else {
      }
      %add3A_233 = arith.constant 1 : i32
      %add3A_234 = arith.addi %add3A_222, %add3A_233 : i32
      %lt3A_235 = arith.constant 80 : i32
      %lt3A_236 = arith.cmpi slt, %add3A_234, %lt3A_235 : i32
      %convert_element_type3A_237 = arith.extui %lt3A_236 : i1 to i32
      %cond3A_238 = arith.constant 0 : i32
      %cond3A_239 = arith.cmpi ne, %convert_element_type3A_237, %cond3A_238 : i32
      scf.if %cond3A_239 {
        %dma_wait3A_271 = arith.constant 0 : i32
        %dma_wait3A_272 = arith.constant 0 : i32
        %dma_wait3A_273 = arith.constant 0 : i32
        %dma_wait3A_274 = tpu.memref_slice %arg8[%dma_wait3A_272, %dma_wait3A_273] : memref<4x128xi32, #tpu.memory_space<vmem>> -> memref<1x128xi32, #tpu.memory_space<vmem>>
        %dma_wait3A_275 = tpu.memref_squeeze %dma_wait3A_274 : memref<1x128xi32, #tpu.memory_space<vmem>> -> memref<128xi32, #tpu.memory_space<vmem>>
        %dma_wait3A_276 = arith.constant 0 : i32
        %dma_wait3A_277 = tpu.memref_slice %arg3[%dma_wait3A_271, %dma_wait3A_276] : memref<2x320000xi32, #tpu.memory_space<hbm>> -> memref<1x128xi32, #tpu.memory_space<hbm>>
        %dma_wait3A_278 = tpu.memref_squeeze %dma_wait3A_277 : memref<1x128xi32, #tpu.memory_space<hbm>> -> memref<128xi32, #tpu.memory_space<hbm>>
        %dma_wait3A_279 = arith.constant 0 : i32
        %dma_wait3A_280 = tpu.memref_slice %arg8[%dma_wait3A_272, %dma_wait3A_279] : memref<4x128xi32, #tpu.memory_space<vmem>> -> memref<1x128xi32, #tpu.memory_space<vmem>>
        %dma_wait3A_281 = tpu.memref_squeeze %dma_wait3A_280 : memref<1x128xi32, #tpu.memory_space<vmem>> -> memref<128xi32, #tpu.memory_space<vmem>>
        %dma_wait3A_282 = arith.constant 0 : i32
        %dma_wait3A_283 = tpu.memref_slice %arg3[%dma_wait3A_271, %dma_wait3A_282] : memref<2x320000xi32, #tpu.memory_space<hbm>> -> memref<1x128xi32, #tpu.memory_space<hbm>>
        %dma_wait3A_284 = tpu.memref_squeeze %dma_wait3A_283 : memref<1x128xi32, #tpu.memory_space<hbm>> -> memref<128xi32, #tpu.memory_space<hbm>>
        tpu.wait_dma2 semaphore(%arg13 : memref<!tpu.dma_semaphore, #tpu.memory_space<semaphore_mem>>) src(%dma_wait3A_284 : memref<128xi32, #tpu.memory_space<hbm>>) dst(%dma_wait3A_281 : memref<128xi32, #tpu.memory_space<vmem>>)
        %dma_wait3A_285 = arith.constant 1 : i32
        %dma_wait3A_286 = arith.constant 0 : i32
        %dma_wait3A_287 = arith.constant 0 : i32
        %dma_wait3A_288 = tpu.memref_slice %arg9[%dma_wait3A_286, %dma_wait3A_287] : memref<4x128xi32, #tpu.memory_space<vmem>> -> memref<1x128xi32, #tpu.memory_space<vmem>>
        %dma_wait3A_289 = tpu.memref_squeeze %dma_wait3A_288 : memref<1x128xi32, #tpu.memory_space<vmem>> -> memref<128xi32, #tpu.memory_space<vmem>>
        %dma_wait3A_290 = arith.constant 0 : i32
        %dma_wait3A_291 = tpu.memref_slice %arg3[%dma_wait3A_285, %dma_wait3A_290] : memref<2x320000xi32, #tpu.memory_space<hbm>> -> memref<1x128xi32, #tpu.memory_space<hbm>>
        %dma_wait3A_292 = tpu.memref_squeeze %dma_wait3A_291 : memref<1x128xi32, #tpu.memory_space<hbm>> -> memref<128xi32, #tpu.memory_space<hbm>>
        %dma_wait3A_293 = arith.constant 0 : i32
        %dma_wait3A_294 = tpu.memref_slice %arg9[%dma_wait3A_286, %dma_wait3A_293] : memref<4x128xi32, #tpu.memory_space<vmem>> -> memref<1x128xi32, #tpu.memory_space<vmem>>
        %dma_wait3A_295 = tpu.memref_squeeze %dma_wait3A_294 : memref<1x128xi32, #tpu.memory_space<vmem>> -> memref<128xi32, #tpu.memory_space<vmem>>
        %dma_wait3A_296 = arith.constant 0 : i32
        %dma_wait3A_297 = tpu.memref_slice %arg3[%dma_wait3A_285, %dma_wait3A_296] : memref<2x320000xi32, #tpu.memory_space<hbm>> -> memref<1x128xi32, #tpu.memory_space<hbm>>
        %dma_wait3A_298 = tpu.memref_squeeze %dma_wait3A_297 : memref<1x128xi32, #tpu.memory_space<hbm>> -> memref<128xi32, #tpu.memory_space<hbm>>
        tpu.wait_dma2 semaphore(%arg13 : memref<!tpu.dma_semaphore, #tpu.memory_space<semaphore_mem>>) src(%dma_wait3A_298 : memref<128xi32, #tpu.memory_space<hbm>>) dst(%dma_wait3A_295 : memref<128xi32, #tpu.memory_space<vmem>>)
        %dma_start3A_299 = arith.constant 0 : i32
        %dma_start3A_300 = arith.constant 0 : i32
        %dma_start3A_301 = arith.constant 0 : i32
        %dma_start3A_302 = arith.constant 0 : i32
        %dma_start3A_303 = tpu.memref_slice %arg10[%dma_start3A_300, %dma_start3A_301, %dma_start3A_302] : memref<2x128x128xf32, #tpu.memory_space<vmem>> -> memref<1x128x128xf32, #tpu.memory_space<vmem>>
        %dma_start3A_304 = tpu.memref_squeeze %dma_start3A_303 : memref<1x128x128xf32, #tpu.memory_space<vmem>> -> memref<128x128xf32, #tpu.memory_space<vmem>>
        %dma_start3A_305 = arith.constant 0 : i32
        %dma_start3A_306 = tpu.memref_slice %arg8[%dma_start3A_299, %dma_start3A_305] : memref<4x128xi32, #tpu.memory_space<vmem>> -> memref<1x128xi32, #tpu.memory_space<vmem>>
        %dma_start3A_307 = tpu.memref_squeeze %dma_start3A_306 : memref<1x128xi32, #tpu.memory_space<vmem>> -> memref<128xi32, #tpu.memory_space<vmem>>
        %dma_start3A_308 = arith.constant 0 : i32
        %dma_start3A_309 = arith.constant 0 : i32
        %dma_start3A_310 = tpu.memref_slice %arg2[%dma_start3A_308, %dma_start3A_309] : memref<10000x128xf32, #tpu.memory_space<hbm>> -> memref<10000x128xf32, #tpu.memory_space<hbm>>
        tpu.enqueue_indirect_dma source(%dma_start3A_310 : memref<10000x128xf32, #tpu.memory_space<hbm>>) target(%dma_start3A_304 : memref<128x128xf32, #tpu.memory_space<vmem>>) offsets(%dma_start3A_307 : memref<128xi32, #tpu.memory_space<vmem>>) semaphore(%arg11 : memref<!tpu.dma_semaphore, #tpu.memory_space<semaphore_mem>>)
      } else {
      }
      %add3A_240 = arith.constant 2 : i32
      %add3A_241 = arith.addi %add3A_222, %add3A_240 : i32
      %lt3A_242 = arith.constant 80 : i32
      %lt3A_243 = arith.cmpi slt, %add3A_241, %lt3A_242 : i32
      %convert_element_type3A_244 = arith.extui %lt3A_243 : i1 to i32
      %cond3A_245 = arith.constant 0 : i32
      %cond3A_246 = arith.cmpi ne, %convert_element_type3A_244, %cond3A_245 : i32
      scf.if %cond3A_246 {
        %add3A_271 = arith.constant 2 : i32
        %add3A_272 = arith.addi %add3A_222, %add3A_271 : i32
        %mul3A_273 = arith.constant 32 : i32
        %mul3A_274 = arith.muli %add3A_272, %mul3A_273 : i32
        %add3A_275 = arith.addi %mul3A_274, %add3A : i32
        %lt3A_276 = arith.constant 2500 : i32
        %lt3A_277 = arith.cmpi slt, %add3A_275, %lt3A_276 : i32
        %convert_element_type3A_278 = arith.extui %lt3A_277 : i1 to i32
        %cond3A_279 = arith.constant 0 : i32
        %cond3A_280 = arith.cmpi ne, %convert_element_type3A_278, %cond3A_279 : i32
        scf.if %cond3A_280 {
          %mul3A_286 = arith.constant 128 : i32
          %mul3A_287 = arith.muli %add3A_275, %mul3A_286 : i32
          %dma_start3A_288 = arith.constant 0 : i32
          %dma_start3A_289 = arith.constant 1 : i32
          %dma_start3A_290 = arith.constant 0 : i32
          %dma_start3A_291 = tpu.memref_slice %arg8[%dma_start3A_289, %dma_start3A_290] : memref<4x128xi32, #tpu.memory_space<vmem>> -> memref<1x128xi32, #tpu.memory_space<vmem>>
          %dma_start3A_292 = tpu.memref_squeeze %dma_start3A_291 : memref<1x128xi32, #tpu.memory_space<vmem>> -> memref<128xi32, #tpu.memory_space<vmem>>
          %dma_start3A_293 = tpu.memref_slice %arg3[%dma_start3A_288, %mul3A_287] : memref<2x320000xi32, #tpu.memory_space<hbm>> -> memref<1x128xi32, #tpu.memory_space<hbm>>
          %dma_start3A_294 = tpu.memref_squeeze %dma_start3A_293 : memref<1x128xi32, #tpu.memory_space<hbm>> -> memref<128xi32, #tpu.memory_space<hbm>>
          %dma_start3A_295 = arith.constant 0 : i32
          %dma_start3A_296 = tpu.memref_slice %arg8[%dma_start3A_289, %dma_start3A_295] : memref<4x128xi32, #tpu.memory_space<vmem>> -> memref<1x128xi32, #tpu.memory_space<vmem>>
          %dma_start3A_297 = tpu.memref_squeeze %dma_start3A_296 : memref<1x128xi32, #tpu.memory_space<vmem>> -> memref<128xi32, #tpu.memory_space<vmem>>
          %dma_start3A_298 = tpu.memref_slice %arg3[%dma_start3A_288, %mul3A_287] : memref<2x320000xi32, #tpu.memory_space<hbm>> -> memref<1x128xi32, #tpu.memory_space<hbm>>
          %dma_start3A_299 = tpu.memref_squeeze %dma_start3A_298 : memref<1x128xi32, #tpu.memory_space<hbm>> -> memref<128xi32, #tpu.memory_space<hbm>>
          tpu.enqueue_dma source(%dma_start3A_299 : memref<128xi32, #tpu.memory_space<hbm>>) target(%dma_start3A_297 : memref<128xi32, #tpu.memory_space<vmem>>) target_semaphore(%arg13 : memref<!tpu.dma_semaphore, #tpu.memory_space<semaphore_mem>>)
          %dma_start3A_300 = arith.constant 1 : i32
          %dma_start3A_301 = arith.constant 1 : i32
          %dma_start3A_302 = arith.constant 0 : i32
          %dma_start3A_303 = tpu.memref_slice %arg9[%dma_start3A_301, %dma_start3A_302] : memref<4x128xi32, #tpu.memory_space<vmem>> -> memref<1x128xi32, #tpu.memory_space<vmem>>
          %dma_start3A_304 = tpu.memref_squeeze %dma_start3A_303 : memref<1x128xi32, #tpu.memory_space<vmem>> -> memref<128xi32, #tpu.memory_space<vmem>>
          %dma_start3A_305 = tpu.memref_slice %arg3[%dma_start3A_300, %mul3A_287] : memref<2x320000xi32, #tpu.memory_space<hbm>> -> memref<1x128xi32, #tpu.memory_space<hbm>>
          %dma_start3A_306 = tpu.memref_squeeze %dma_start3A_305 : memref<1x128xi32, #tpu.memory_space<hbm>> -> memref<128xi32, #tpu.memory_space<hbm>>
          %dma_start3A_307 = arith.constant 0 : i32
          %dma_start3A_308 = tpu.memref_slice %arg9[%dma_start3A_301, %dma_start3A_307] : memref<4x128xi32, #tpu.memory_space<vmem>> -> memref<1x128xi32, #tpu.memory_space<vmem>>
          %dma_start3A_309 = tpu.memref_squeeze %dma_start3A_308 : memref<1x128xi32, #tpu.memory_space<vmem>> -> memref<128xi32, #tpu.memory_space<vmem>>
          %dma_start3A_310 = tpu.memref_slice %arg3[%dma_start3A_300, %mul3A_287] : memref<2x320000xi32, #tpu.memory_space<hbm>> -> memref<1x128xi32, #tpu.memory_space<hbm>>
          %dma_start3A_311 = tpu.memref_squeeze %dma_start3A_310 : memref<1x128xi32, #tpu.memory_space<hbm>> -> memref<128xi32, #tpu.memory_space<hbm>>
          tpu.enqueue_dma source(%dma_start3A_311 : memref<128xi32, #tpu.memory_space<hbm>>) target(%dma_start3A_309 : memref<128xi32, #tpu.memory_space<vmem>>) target_semaphore(%arg13 : memref<!tpu.dma_semaphore, #tpu.memory_space<semaphore_mem>>)
        } else {
        }
        %ge3A_281 = arith.constant 2500 : i32
        %ge3A_282 = arith.cmpi sge, %add3A_275, %ge3A_281 : i32
        %convert_element_type3A_283 = arith.extui %ge3A_282 : i1 to i32
        %cond3A_284 = arith.constant 0 : i32
        %cond3A_285 = arith.cmpi ne, %convert_element_type3A_283, %cond3A_284 : i32
        scf.if %cond3A_285 {
          %sub3A = arith.constant 2500 : i32
          %sub3A_286 = arith.subi %add3A_275, %sub3A : i32
          %dma_start3A_287 = arith.constant 0 : i32
          %dma_start3A_288 = arith.constant 1 : i32
          %dma_start3A_289 = arith.constant 0 : i32
          %dma_start3A_290 = tpu.memref_slice %arg8[%dma_start3A_288, %dma_start3A_289] : memref<4x128xi32, #tpu.memory_space<vmem>> -> memref<1x128xi32, #tpu.memory_space<vmem>>
          %dma_start3A_291 = tpu.memref_squeeze %dma_start3A_290 : memref<1x128xi32, #tpu.memory_space<vmem>> -> memref<128xi32, #tpu.memory_space<vmem>>
          %dma_start3A_292 = arith.constant 0 : i32
          %dma_start3A_293 = tpu.memref_slice %arg4[%sub3A_286, %dma_start3A_287, %dma_start3A_292] : memref<60x2x128xi32, #tpu.memory_space<hbm>> -> memref<1x1x128xi32, #tpu.memory_space<hbm>>
          %dma_start3A_294 = tpu.memref_squeeze %dma_start3A_293 : memref<1x1x128xi32, #tpu.memory_space<hbm>> -> memref<128xi32, #tpu.memory_space<hbm>>
          %dma_start3A_295 = arith.constant 0 : i32
          %dma_start3A_296 = tpu.memref_slice %arg8[%dma_start3A_288, %dma_start3A_295] : memref<4x128xi32, #tpu.memory_space<vmem>> -> memref<1x128xi32, #tpu.memory_space<vmem>>
          %dma_start3A_297 = tpu.memref_squeeze %dma_start3A_296 : memref<1x128xi32, #tpu.memory_space<vmem>> -> memref<128xi32, #tpu.memory_space<vmem>>
          %dma_start3A_298 = arith.constant 0 : i32
          %dma_start3A_299 = tpu.memref_slice %arg4[%sub3A_286, %dma_start3A_287, %dma_start3A_298] : memref<60x2x128xi32, #tpu.memory_space<hbm>> -> memref<1x1x128xi32, #tpu.memory_space<hbm>>
          %dma_start3A_300 = tpu.memref_squeeze %dma_start3A_299 : memref<1x1x128xi32, #tpu.memory_space<hbm>> -> memref<128xi32, #tpu.memory_space<hbm>>
          tpu.enqueue_dma source(%dma_start3A_300 : memref<128xi32, #tpu.memory_space<hbm>>) target(%dma_start3A_297 : memref<128xi32, #tpu.memory_space<vmem>>) target_semaphore(%arg13 : memref<!tpu.dma_semaphore, #tpu.memory_space<semaphore_mem>>)
          %dma_start3A_301 = arith.constant 1 : i32
          %dma_start3A_302 = arith.constant 1 : i32
          %dma_start3A_303 = arith.constant 0 : i32
          %dma_start3A_304 = tpu.memref_slice %arg9[%dma_start3A_302, %dma_start3A_303] : memref<4x128xi32, #tpu.memory_space<vmem>> -> memref<1x128xi32, #tpu.memory_space<vmem>>
          %dma_start3A_305 = tpu.memref_squeeze %dma_start3A_304 : memref<1x128xi32, #tpu.memory_space<vmem>> -> memref<128xi32, #tpu.memory_space<vmem>>
          %dma_start3A_306 = arith.constant 0 : i32
          %dma_start3A_307 = tpu.memref_slice %arg4[%sub3A_286, %dma_start3A_301, %dma_start3A_306] : memref<60x2x128xi32, #tpu.memory_space<hbm>> -> memref<1x1x128xi32, #tpu.memory_space<hbm>>
          %dma_start3A_308 = tpu.memref_squeeze %dma_start3A_307 : memref<1x1x128xi32, #tpu.memory_space<hbm>> -> memref<128xi32, #tpu.memory_space<hbm>>
          %dma_start3A_309 = arith.constant 0 : i32
          %dma_start3A_310 = tpu.memref_slice %arg9[%dma_start3A_302, %dma_start3A_309] : memref<4x128xi32, #tpu.memory_space<vmem>> -> memref<1x128xi32, #tpu.memory_space<vmem>>
          %dma_start3A_311 = tpu.memref_squeeze %dma_start3A_310 : memref<1x128xi32, #tpu.memory_space<vmem>> -> memref<128xi32, #tpu.memory_space<vmem>>
          %dma_start3A_312 = arith.constant 0 : i32
          %dma_start3A_313 = tpu.memref_slice %arg4[%sub3A_286, %dma_start3A_301, %dma_start3A_312] : memref<60x2x128xi32, #tpu.memory_space<hbm>> -> memref<1x1x128xi32, #tpu.memory_space<hbm>>
          %dma_start3A_314 = tpu.memref_squeeze %dma_start3A_313 : memref<1x1x128xi32, #tpu.memory_space<hbm>> -> memref<128xi32, #tpu.memory_space<hbm>>
          tpu.enqueue_dma source(%dma_start3A_314 : memref<128xi32, #tpu.memory_space<hbm>>) target(%dma_start3A_311 : memref<128xi32, #tpu.memory_space<vmem>>) target_semaphore(%arg13 : memref<!tpu.dma_semaphore, #tpu.memory_space<semaphore_mem>>)
        } else {
        }
      } else {
      }
      %dma_wait3A_247 = arith.constant 3 : i32
      %dma_wait3A_248 = arith.constant 1 : i32
      %dma_wait3A_249 = arith.constant 0 : i32
      %dma_wait3A_250 = arith.constant 0 : i32
      %dma_wait3A_251 = tpu.memref_slice %arg10[%dma_wait3A_248, %dma_wait3A_249, %dma_wait3A_250] : memref<2x128x128xf32, #tpu.memory_space<vmem>> -> memref<1x128x128xf32, #tpu.memory_space<vmem>>
      %dma_wait3A_252 = tpu.memref_squeeze %dma_wait3A_251 : memref<1x128x128xf32, #tpu.memory_space<vmem>> -> memref<128x128xf32, #tpu.memory_space<vmem>>
      %dma_wait3A_253 = arith.constant 0 : i32
      %dma_wait3A_254 = tpu.memref_slice %arg8[%dma_wait3A_247, %dma_wait3A_253] : memref<4x128xi32, #tpu.memory_space<vmem>> -> memref<1x128xi32, #tpu.memory_space<vmem>>
      %dma_wait3A_255 = tpu.memref_squeeze %dma_wait3A_254 : memref<1x128xi32, #tpu.memory_space<vmem>> -> memref<128xi32, #tpu.memory_space<vmem>>
      %dma_wait3A_256 = arith.constant 0 : i32
      %dma_wait3A_257 = arith.constant 0 : i32
      %dma_wait3A_258 = tpu.memref_slice %arg2[%dma_wait3A_256, %dma_wait3A_257] : memref<10000x128xf32, #tpu.memory_space<hbm>> -> memref<10000x128xf32, #tpu.memory_space<hbm>>
      tpu.wait_indirect_dma semaphore(%arg12 : memref<!tpu.dma_semaphore, #tpu.memory_space<semaphore_mem>>) src(%dma_wait3A_258 : memref<10000x128xf32, #tpu.memory_space<hbm>>) dst(%dma_wait3A_252 : memref<128x128xf32, #tpu.memory_space<vmem>>)
      %dma_start3A_259 = arith.constant 1 : i32
      %dma_start3A_260 = arith.constant 3 : i32
      %dma_start3A_261 = arith.constant 0 : i32
      %dma_start3A_262 = arith.constant 0 : i32
      %dma_start3A_263 = tpu.memref_slice %arg10[%dma_start3A_259, %dma_start3A_261, %dma_start3A_262] : memref<2x128x128xf32, #tpu.memory_space<vmem>> -> memref<1x128x128xf32, #tpu.memory_space<vmem>>
      %dma_start3A_264 = tpu.memref_squeeze %dma_start3A_263 : memref<1x128x128xf32, #tpu.memory_space<vmem>> -> memref<128x128xf32, #tpu.memory_space<vmem>>
      %dma_start3A_265 = arith.constant 0 : i32
      %dma_start3A_266 = tpu.memref_slice %arg9[%dma_start3A_260, %dma_start3A_265] : memref<4x128xi32, #tpu.memory_space<vmem>> -> memref<1x128xi32, #tpu.memory_space<vmem>>
      %dma_start3A_267 = tpu.memref_squeeze %dma_start3A_266 : memref<1x128xi32, #tpu.memory_space<vmem>> -> memref<128xi32, #tpu.memory_space<vmem>>
      %dma_start3A_268 = arith.constant 0 : i32
      %dma_start3A_269 = arith.constant 0 : i32
      %dma_start3A_270 = tpu.memref_slice %arg7[%dma_start3A_268, %dma_start3A_269] : memref<10240x128xf32, #tpu.memory_space<vmem_shared>> -> memref<10240x128xf32, #tpu.memory_space<vmem_shared>>
      tpu.enqueue_indirect_dma source(%dma_start3A_264 : memref<128x128xf32, #tpu.memory_space<vmem>>) target(%dma_start3A_270 : memref<10240x128xf32, #tpu.memory_space<vmem_shared>>) offsets(%dma_start3A_267 : memref<128xi32, #tpu.memory_space<vmem>>) semaphore(%arg15 : memref<!tpu.dma_semaphore, #tpu.memory_space<semaphore_mem>>) {add = true}
    }
    %scan3A_38 = arith.constant 20 : i32
    %dma_wait3A = arith.constant 0 : i32
    %dma_wait3A_39 = arith.constant 2 : i32
    %dma_wait3A_40 = arith.constant 0 : i32
    %dma_wait3A_41 = arith.constant 0 : i32
    %dma_wait3A_42 = tpu.memref_slice %arg10[%dma_wait3A, %dma_wait3A_40, %dma_wait3A_41] : memref<2x128x128xf32, #tpu.memory_space<vmem>> -> memref<1x128x128xf32, #tpu.memory_space<vmem>>
    %dma_wait3A_43 = tpu.memref_squeeze %dma_wait3A_42 : memref<1x128x128xf32, #tpu.memory_space<vmem>> -> memref<128x128xf32, #tpu.memory_space<vmem>>
    %dma_wait3A_44 = arith.constant 0 : i32
    %dma_wait3A_45 = tpu.memref_slice %arg9[%dma_wait3A_39, %dma_wait3A_44] : memref<4x128xi32, #tpu.memory_space<vmem>> -> memref<1x128xi32, #tpu.memory_space<vmem>>
    %dma_wait3A_46 = tpu.memref_squeeze %dma_wait3A_45 : memref<1x128xi32, #tpu.memory_space<vmem>> -> memref<128xi32, #tpu.memory_space<vmem>>
    %dma_wait3A_47 = arith.constant 0 : i32
    %dma_wait3A_48 = arith.constant 0 : i32
    %dma_wait3A_49 = tpu.memref_slice %arg7[%dma_wait3A_47, %dma_wait3A_48] : memref<10240x128xf32, #tpu.memory_space<vmem_shared>> -> memref<10240x128xf32, #tpu.memory_space<vmem_shared>>
    tpu.wait_indirect_dma semaphore(%arg14 : memref<!tpu.dma_semaphore, #tpu.memory_space<semaphore_mem>>) src(%dma_wait3A_43 : memref<128x128xf32, #tpu.memory_space<vmem>>) dst(%dma_wait3A_49 : memref<10240x128xf32, #tpu.memory_space<vmem_shared>>)
    %dma_wait3A_50 = arith.constant 1 : i32
    %dma_wait3A_51 = arith.constant 3 : i32
    %dma_wait3A_52 = arith.constant 0 : i32
    %dma_wait3A_53 = arith.constant 0 : i32
    %dma_wait3A_54 = tpu.memref_slice %arg10[%dma_wait3A_50, %dma_wait3A_52, %dma_wait3A_53] : memref<2x128x128xf32, #tpu.memory_space<vmem>> -> memref<1x128x128xf32, #tpu.memory_space<vmem>>
    %dma_wait3A_55 = tpu.memref_squeeze %dma_wait3A_54 : memref<1x128x128xf32, #tpu.memory_space<vmem>> -> memref<128x128xf32, #tpu.memory_space<vmem>>
    %dma_wait3A_56 = arith.constant 0 : i32
    %dma_wait3A_57 = tpu.memref_slice %arg9[%dma_wait3A_51, %dma_wait3A_56] : memref<4x128xi32, #tpu.memory_space<vmem>> -> memref<1x128xi32, #tpu.memory_space<vmem>>
    %dma_wait3A_58 = tpu.memref_squeeze %dma_wait3A_57 : memref<1x128xi32, #tpu.memory_space<vmem>> -> memref<128xi32, #tpu.memory_space<vmem>>
    %dma_wait3A_59 = arith.constant 0 : i32
    %dma_wait3A_60 = arith.constant 0 : i32
    %dma_wait3A_61 = tpu.memref_slice %arg7[%dma_wait3A_59, %dma_wait3A_60] : memref<10240x128xf32, #tpu.memory_space<vmem_shared>> -> memref<10240x128xf32, #tpu.memory_space<vmem_shared>>
    tpu.wait_indirect_dma semaphore(%arg15 : memref<!tpu.dma_semaphore, #tpu.memory_space<semaphore_mem>>) src(%dma_wait3A_55 : memref<128x128xf32, #tpu.memory_space<vmem>>) dst(%dma_wait3A_61 : memref<10240x128xf32, #tpu.memory_space<vmem_shared>>)
    %barrier3A_62 = arith.constant 0 : index
    tpu.barrier barrier_id(%barrier3A_62)
    "tpu.region"() ({
      %run_scoped3A = tpu.sem_alloc : memref<!tpu.dma_semaphore, #tpu.memory_space<semaphore_mem>>
      %dma_start3A_63 = arith.constant 0 : i32
      %dma_start3A_64 = tpu.memref_slice %arg6[%arg0, %mul3A_2, %dma_start3A_63] : memref<2x10240x128xf32, #tpu.memory_space<hbm>> -> memref<1x640x128xf32, #tpu.memory_space<hbm>>
      %dma_start3A_65 = tpu.memref_squeeze %dma_start3A_64 : memref<1x640x128xf32, #tpu.memory_space<hbm>> -> memref<640x128xf32, #tpu.memory_space<hbm>>
      %dma_start3A_66 = arith.constant 0 : i32
      %dma_start3A_67 = tpu.memref_slice %arg7[%mul3A_2, %dma_start3A_66] : memref<10240x128xf32, #tpu.memory_space<vmem_shared>> -> memref<640x128xf32, #tpu.memory_space<vmem_shared>>
      tpu.enqueue_dma source(%dma_start3A_67 : memref<640x128xf32, #tpu.memory_space<vmem_shared>>) target(%dma_start3A_65 : memref<640x128xf32, #tpu.memory_space<hbm>>) target_semaphore(%run_scoped3A : memref<!tpu.dma_semaphore, #tpu.memory_space<semaphore_mem>>)
      %dma_wait3A_68 = arith.constant 0 : i32
      %dma_wait3A_69 = tpu.memref_slice %arg6[%arg0, %mul3A_2, %dma_wait3A_68] : memref<2x10240x128xf32, #tpu.memory_space<hbm>> -> memref<1x640x128xf32, #tpu.memory_space<hbm>>
      %dma_wait3A_70 = tpu.memref_squeeze %dma_wait3A_69 : memref<1x640x128xf32, #tpu.memory_space<hbm>> -> memref<640x128xf32, #tpu.memory_space<hbm>>
      %dma_wait3A_71 = arith.constant 0 : i32
      %dma_wait3A_72 = tpu.memref_slice %arg7[%mul3A_2, %dma_wait3A_71] : memref<10240x128xf32, #tpu.memory_space<vmem_shared>> -> memref<640x128xf32, #tpu.memory_space<vmem_shared>>
      tpu.wait_dma2 semaphore(%run_scoped3A : memref<!tpu.dma_semaphore, #tpu.memory_space<semaphore_mem>>) src(%dma_wait3A_72 : memref<640x128xf32, #tpu.memory_space<vmem_shared>>) dst(%dma_wait3A_70 : memref<640x128xf32, #tpu.memory_space<hbm>>)
      tpu.yield
    }) : () -> ()
    return
  }
}

module attributes {stable_mosaic.version = 14 : i64} {
  func.func @_tc_dense_kernel(%arg0: i32, %arg1: memref<2x2000x128xf32, #tpu.memory_space<vmem>>, %arg2: memref<128x32xf32, #tpu.memory_space<vmem>>, %arg3: memref<1x32xf32, #tpu.memory_space<vmem>>, %arg4: memref<32x128xf32, #tpu.memory_space<vmem>>, %arg5: memref<1x128xf32, #tpu.memory_space<vmem>>, %arg6: memref<2000x128xf32, #tpu.memory_space<vmem>>) attributes {dimension_semantics = [#tpu.dimension_semantics<arbitrary>], iteration_bounds = array<i64: 5>, scalar_prefetch = 0 : i64, scratch_operands = 0 : i64, tpu.core_type = #tpu.core_type<tc>, window_params = [{transform_indices = @transform_0, window_bounds = array<i64: 2, 2000, 128>}, {pipeline_mode = #tpu.pipeline_mode<synchronous>, transform_indices = @transform_1, window_bounds = array<i64: 128, 32>}, {pipeline_mode = #tpu.pipeline_mode<synchronous>, transform_indices = @transform_2, window_bounds = array<i64: 1, 32>}, {pipeline_mode = #tpu.pipeline_mode<synchronous>, transform_indices = @transform_3, window_bounds = array<i64: 32, 128>}, {pipeline_mode = #tpu.pipeline_mode<synchronous>, transform_indices = @transform_4, window_bounds = array<i64: 1, 128>}, {transform_indices = @transform_5, window_bounds = array<i64: 2000, 128>}]} {
    %get3A = arith.constant 0 : index
    %get3A_0 = arith.constant 0 : index
    %get3A_1 = arith.constant 0 : index
    %get3A_2 = vector.load %arg1[%get3A, %get3A_0, %get3A_1] : memref<2x2000x128xf32, #tpu.memory_space<vmem>>, vector<1x2000x128xf32>
    %get3A_3 = vector.shape_cast %get3A_2 : vector<1x2000x128xf32> to vector<2000x128xf32>
    %get3A_4 = arith.constant 1 : index
    %get3A_5 = arith.constant 0 : index
    %get3A_6 = arith.constant 0 : index
    %get3A_7 = vector.load %arg1[%get3A_4, %get3A_5, %get3A_6] : memref<2x2000x128xf32, #tpu.memory_space<vmem>>, vector<1x2000x128xf32>
    %get3A_8 = vector.shape_cast %get3A_7 : vector<1x2000x128xf32> to vector<2000x128xf32>
    %add3A = arith.addf %get3A_3, %get3A_8 : vector<2000x128xf32>
    %get3A_9 = arith.constant 0 : index
    %get3A_10 = arith.constant 0 : index
    %get3A_11 = vector.load %arg2[%get3A_9, %get3A_10] : memref<128x32xf32, #tpu.memory_space<vmem>>, vector<128x32xf32>
    %dot_general3A = arith.constant dense<0.000000e+00> : vector<2000x32xf32>
    %dot_general3A_12 = tpu.matmul %add3A, %get3A_11, %dot_general3A {dimension_numbers = #tpu.dot_dimension_numbers<[1], [0], [0], [1], [0, 0, 1, 1], [], []>, transpose_lhs_hint = false} : vector<2000x128xf32>, vector<128x32xf32>, vector<2000x32xf32> -> vector<2000x32xf32>
    %get3A_13 = arith.constant 0 : index
    %get3A_14 = arith.constant 0 : index
    %get3A_15 = vector.load %arg3[%get3A_13, %get3A_14] : memref<1x32xf32, #tpu.memory_space<vmem>>, vector<1x32xf32>
    %add3A_16 = vector.broadcast %get3A_15 : vector<1x32xf32> to vector<2000x32xf32>
    %add3A_17 = arith.addf %dot_general3A_12, %add3A_16 : vector<2000x32xf32>
    %max3A = arith.constant 0.000000e+00 : f32
    %max3A_18 = vector.broadcast %max3A : f32 to vector<2000x32xf32>
    %max3A_19 = arith.maximumf %add3A_17, %max3A_18 : vector<2000x32xf32>
    %get3A_20 = arith.constant 0 : index
    %get3A_21 = arith.constant 0 : index
    %get3A_22 = vector.load %arg4[%get3A_20, %get3A_21] : memref<32x128xf32, #tpu.memory_space<vmem>>, vector<32x128xf32>
    %dot_general3A_23 = arith.constant dense<0.000000e+00> : vector<2000x128xf32>
    %dot_general3A_24 = tpu.matmul %max3A_19, %get3A_22, %dot_general3A_23 {dimension_numbers = #tpu.dot_dimension_numbers<[1], [0], [0], [1], [0, 0, 1, 1], [], []>, transpose_lhs_hint = false} : vector<2000x32xf32>, vector<32x128xf32>, vector<2000x128xf32> -> vector<2000x128xf32>
    %get3A_25 = arith.constant 0 : index
    %get3A_26 = arith.constant 0 : index
    %get3A_27 = vector.load %arg5[%get3A_25, %get3A_26] : memref<1x128xf32, #tpu.memory_space<vmem>>, vector<1x128xf32>
    %add3A_28 = vector.broadcast %get3A_27 : vector<1x128xf32> to vector<2000x128xf32>
    %add3A_29 = arith.addf %dot_general3A_24, %add3A_28 : vector<2000x128xf32>
    %exp3A = math.exp %add3A_29 : vector<2000x128xf32>
    %reduce_sum3A = arith.constant dense<0.000000e+00> : vector<2000xf32>
    %reduce_sum3A_30 = vector.multi_reduction <add>, %exp3A, %reduce_sum3A [1] : vector<2000x128xf32> to vector<2000xf32>
    %broadcast_in_dim3A = vector.shape_cast %reduce_sum3A_30 : vector<2000xf32> to vector<2000x1xf32>
    %div3A = vector.broadcast %broadcast_in_dim3A : vector<2000x1xf32> to vector<2000x128xf32>
    %div3A_31 = arith.divf %exp3A, %div3A : vector<2000x128xf32>
    %swap3A = arith.constant 0 : index
    %swap3A_32 = arith.constant 0 : index
    %swap3A_33 = vector.load %arg6[%swap3A, %swap3A_32] : memref<2000x128xf32, #tpu.memory_space<vmem>>, vector<2000x128xf32>
    tpu.vector_store %arg6[%swap3A, %swap3A_32], %div3A_31 {strides = array<i32>} : memref<2000x128xf32, #tpu.memory_space<vmem>>, vector<2000x128xf32>,
    return
  }
  func.func @transform_0(%arg0: i32) -> (i32, i32, i32) {
    %c0_i32 = arith.constant 0 : i32
    %c0_i32_0 = arith.constant 0 : i32
    %c0_i32_1 = arith.constant 0 : i32
    return %c0_i32, %arg0, %c0_i32_0 : i32, i32, i32
  }
  func.func @transform_1(%arg0: i32) -> (i32, i32) {
    %c0_i32 = arith.constant 0 : i32
    %c0_i32_0 = arith.constant 0 : i32
    %c0_i32_1 = arith.constant 0 : i32
    return %c0_i32, %c0_i32_0 : i32, i32
  }
  func.func @transform_2(%arg0: i32) -> (i32, i32) {
    %c0_i32 = arith.constant 0 : i32
    %c0_i32_0 = arith.constant 0 : i32
    %c0_i32_1 = arith.constant 0 : i32
    return %c0_i32, %c0_i32_0 : i32, i32
  }
  func.func @transform_3(%arg0: i32) -> (i32, i32) {
    %c0_i32 = arith.constant 0 : i32
    %c0_i32_0 = arith.constant 0 : i32
    %c0_i32_1 = arith.constant 0 : i32
    return %c0_i32, %c0_i32_0 : i32, i32
  }
  func.func @transform_4(%arg0: i32) -> (i32, i32) {
    %c0_i32 = arith.constant 0 : i32
    %c0_i32_0 = arith.constant 0 : i32
    %c0_i32_1 = arith.constant 0 : i32
    return %c0_i32, %c0_i32_0 : i32, i32
  }
  func.func @transform_5(%arg0: i32) -> (i32, i32) {
    %c0_i32 = arith.constant 0 : i32
    %c0_i32_0 = arith.constant 0 : i32
    return %arg0, %c0_i32 : i32, i32
  }
}

</mosaic_0001>

<sc_bundles>
// kernel: kernel.4.cloned.1.call-start
scs
__scs_entry_jumppad:
0x0: {  	(pc) =	sbr.rel $0x88, $3  }
0x1: {  	(tag) =	ssettag $0x0;
	lr =	simm.s32 $0x1  }
0x2: {  	[smem:$0x3F9B] =	sst lr;
	_ =	strace $0xD0000000  }
0x3: {  	_ = 	snop  }
0x4: {  	_ = 	snop  }
0x5: {  	_ = 	snop  }
0x6: {  	_ = 	snop  }
0x7: {  	_ = 	snop  }
__scs_overlays_trampoline_lowered:
0x8: {  	[smem:$0x3FAA] =	sst s0  }
0x9: {  	[smem:$0x3FAB] =	sst s1  }
0xa: {  	[smem:$0x3FAC] =	sst s2  }
0xb: {  	[smem:$0x3FAD] =	sst s3  }
0xc: {  	[smem:$0x3FAE] =	sst s4  }
0xd: {  	[smem:$0x3FAF] =	sst s5  }
0xe: {  	[smem:$0x3FB0] =	sst s6  }
0xf: {  	[smem:$0x3FB1] =	sst s7  }
0x10: {  	[smem:$0x3FB2] =	sst s8  }
0x11: {  	[smem:$0x3FB3] =	sst s9;
	s0 =	simm.s32 @!p0 $0x0  }
0x12: {  	s1 =	sld [smem:$0x3F99];
	s0 =	simm.s32 @p0 $0x1  }
0x13: {  	[smem:$0x3FB4] =	sst s0;
	s0 =	simm.s32 @!p1 $0x0  }
0x14: {  	s2 =	sld [smem:$0x3F98];
	s0 =	simm.s32 @p1 $0x1  }
0x15: {  	[smem:$0x3FB5] =	sst s0;
	s0 =	simm.s32 @!p2 $0x0  }
0x16: {  	s3 =	sld [smem:$0x3FDB];
	s0 =	simm.s32 @p2 $0x1  }
0x17: {  	s4 =	simm.s32 $0x1BF5;
	[smem:$0x3FB7] =	sst s0  }
0x18: {  	s0 =	sld [smem:$0x3F9A];
	_ =	swait.ge [sflag:s4], $0x0  }
0x19: {  	s7 =	sld [smem:$0x3F9B]  }
0x1a: {  	s8 =	sadd.s32 $0xFFFFE003, lr  }
0x1b: {  	s9 =	sadd.s32 $0xFFFFFEF7, lr;
	s5 =	simm.s32 $0xFFFFFFFF;
	p2 =	slt.u32 s8, $0xFFFFF086  }
0x1c: {  	p1 =	slt.u32 s9, $0xF7A;
	s5 =	simm.s32 @!p2 $0x0  }
0x1d: {  	s5 =	simm.s32 @p1 $0x1;
	p0 =	seq.s32 s7, s2  }
0x1e: {  	s7 =	smul.u32 @!p0 $0xF7A, s2;
	p2 =	seq.s32 @!p0 s5, $0x0  }
0x1f: {  	s9 =	smul.u32 $0xF7A, s1;
	s8 =	simm.s32 @!p0 $0x1BF5;
	p2 =	por !p2, p0  }
0x20: {  	[sflag:s8] =	ssyncset.s32 @!p0 $0xFFFFF086;
	s6 =	sadd.s32 @!p0 s3, s7;
	s7 =	simm.s32 @!p0 $0x108  }
0x21: {  	s3 =	sadd.s32 s3, s9;
	s6 =	sadd.s32 @!p0 $0x88, s6;
	s7 =	simm.s32 @p2 $0x1082  }
0x22: {  	[simem:s7], [sflag:s8] =	dma.local @!p0 [hbm:s6], $0xF7A  }
0x23: {  	s9 =	sor.u32 $0xD0000000, s2;
	s6 =	simm.s32 $0x108;
	_ =	swait.ge @!p0 [sflag:s8], $0x0  }
0x24: {  	s3 =	sadd.s32 $0x88, s3;
	s6 =	simm.s32 @!p1 $0x1082;
	[sflag:s4] =	ssyncset.s32 $0xFFFFF086  }
0x25: {  	[simem:s6], [sflag:s4] =	dma.local [hbm:s3], $0xF7A  }
0x26: {  	[smem:$0x3F9B] =	sst s1;
	(tag) =	ssettag s2;
	_ =	strace s9  }
0x27: {  	s1 =	sld [smem:$0x3FAB]  }
0x28: {  	s2 =	sld [smem:$0x3FAC]  }
0x29: {  	s4 =	sld [smem:$0x3FAE]  }
0x2a: {  	p0 =	seq.s32 s5, $0x0;
	s5 =	sld [smem:$0x3FAF]  }
0x2b: {  	s6 =	sld [smem:$0x3FB0]  }
0x2c: {  	s7 =	sld [smem:$0x3FB1]  }
0x2d: {  	s3 =	simm.s32 $0x108;
	s8 =	sld [smem:$0x3FB2]  }
0x2e: {  	s3 =	simm.s32 @!p0 $0x1082;
	s9 =	sld [smem:$0x3FB3]  }
0x2f: {  	lr =	sadd.s32 s0, s3;
	s0 =	sld [smem:$0x3FAA]  }
0x30: {  	s3 =	sld [smem:$0x3FAD]  }
0x31: {  	[smem:$0x3FB6] =	sst s10  }
0x32: {  	s10 =	sld [smem:$0x3FB4];
	_ =	sdelay $0x3  }
0x33: {  	p0 =	seq.s32 s10, $0x1;
	s10 =	sld [smem:$0x3FB6];
	_ =	sdelay $0x3  }
0x34: {  	[smem:$0x3FB6] =	sst s10  }
0x35: {  	s10 =	sld [smem:$0x3FB5];
	_ =	sdelay $0x3  }
0x36: {  	p1 =	seq.s32 s10, $0x1;
	s10 =	sld [smem:$0x3FB6];
	_ =	sdelay $0x3  }
0x37: {  	[smem:$0x3FB6] =	sst s10  }
0x38: {  	s10 =	sld [smem:$0x3FB7]  }
0x39: {  	_ = 	snop;
	(pc) =	sbr.ind lr, $3  }
0x3a: {  	_ = 	snop  }
0x3b: {  	_ = 	snop  }
0x3c: {  	p2 =	seq.s32 s10, $0x1;
	s10 =	sld [smem:$0x3FB6]  }
0x3d: {  	_ =	shalt  }
0x3e: {  	_ =	shalt  }
0x3f: {  	_ =	shalt  }
0x40: {  	_ =	shalt  }
0x41: {  	_ =	shalt  }
0x42: {  	_ =	shalt  }
0x43: {  	_ =	shalt  }
0x44: {  	_ =	shalt  }
0x45: {  	_ =	shalt  }
0x46: {  	_ =	shalt  }
0x47: {  	_ =	shalt  }
0x48: {  	_ =	shalt  }
0x49: {  	_ =	shalt  }
0x4a: {  	_ =	shalt  }
0x4b: {  	_ =	shalt  }
0x4c: {  	_ =	shalt  }
0x4d: {  	_ =	shalt  }
0x4e: {  	_ =	shalt  }
0x4f: {  	_ =	shalt  }
0x50: {  	_ =	shalt  }
0x51: {  	_ =	shalt  }
0x52: {  	_ =	shalt  }
0x53: {  	_ =	shalt  }
0x54: {  	_ =	shalt  }
0x55: {  	_ =	shalt  }
0x56: {  	_ =	shalt  }
0x57: {  	_ =	shalt  }
0x58: {  	_ =	shalt  }
0x59: {  	_ =	shalt  }
0x5a: {  	_ =	shalt  }
0x5b: {  	_ =	shalt  }
0x5c: {  	_ =	shalt  }
0x5d: {  	_ =	shalt  }
0x5e: {  	_ =	shalt  }
0x5f: {  	_ =	shalt  }
0x60: {  	_ =	shalt  }
0x61: {  	_ =	shalt  }
0x62: {  	_ =	shalt  }
0x63: {  	_ =	shalt  }
0x64: {  	_ =	shalt  }
0x65: {  	_ =	shalt  }
0x66: {  	_ =	shalt  }
0x67: {  	_ =	shalt  }
0x68: {  	_ =	shalt  }
0x69: {  	_ =	shalt  }
0x6a: {  	_ =	shalt  }
0x6b: {  	_ =	shalt  }
0x6c: {  	_ =	shalt  }
0x6d: {  	_ =	shalt  }
0x6e: {  	_ =	shalt  }
0x6f: {  	_ =	shalt  }
0x70: {  	_ =	shalt  }
0x71: {  	_ =	shalt  }
0x72: {  	_ =	shalt  }
0x73: {  	_ =	shalt  }
0x74: {  	_ =	shalt  }
0x75: {  	_ =	shalt  }
0x76: {  	_ =	shalt  }
0x77: {  	_ =	shalt  }
0x78: {  	_ =	shalt  }
0x79: {  	_ =	shalt  }
0x7a: {  	_ =	shalt  }
0x7b: {  	_ =	shalt  }
0x7c: {  	_ =	shalt  }
0x7d: {  	_ =	shalt  }
0x7e: {  	_ =	shalt  }
0x7f: {  	_ =	shalt  }
0x80: {  	_ =	shalt  }
0x81: {  	_ =	shalt  }
0x82: {  	_ =	shalt  }
0x83: {  	_ =	shalt  }
0x84: {  	_ =	shalt  }
0x85: {  	_ =	shalt  }
0x86: {  	_ =	shalt  }
0x87: {  	_ =	shalt  }
.Lfunc_end0:
.L_simem_size_0:
called_computation_lowered:
.L_overlay_start_0:
0x88: {  	s2 =	sld [smem:$0x3FD9]  }
0x89: {  	s3 =	sld [smem:$0x3FFE];
	_ =	sdelay $0x1  }
0x8a: {  	s1 =	srdreg.scid  }
0x8b: {  	s0 =	sand.u32 $0x1, s1  }
0x8c: {  	s17 =	sshll.u32 s0, $0xA;
	s2 =	sadd.s32 s3, s2  }
0x8d: {  	s2 =	sadd.s32 s2, s17  }
0x8e: {  	[smem:$0x3FC2] =	sst s2  }
0x8f: {  	_ = 	snop  }
0x90: {  	s2 =	sld [smem:$0x3FC9]  }
0x91: {  	s18 =	sld [smem:$0x3FC8]  }
0x92: {  	s4 =	sld [smem:$0x3FD0];
	(tm) =	ssettm $0x1  }
0x93: {  	s5 =	sld [smem:$0x3FFB];
	_ =	sdelay $0x3  }
0x94: {  	_ =	strace s5  }
0x95: {  	s5 =	sld [smem:$0x3FFC];
	_ =	sdelay $0x3  }
0x96: {  	_ =	strace s5  }
0x97: {  	s5 =	sld [smem:$0x3FFD];
	_ =	sdelay $0x3  }
0x98: {  	_ =	strace s5  }
0x99: {  	_ =	strace $0x8FFFFFFF  }
0x9a: {  	s19 =	sld [smem:$0x3FDB];
	_ =	sdelay $0x1  }
0x9b: {  	s6 =	simm.s32 $_scs_section_size  }
0x9c: {  	s7 =	simm.s32 $_size__tile_overlayer_lowered;
	s8 =	simm.s32 $_tile_overlayer_lowered  }
0x9d: {  	s22 =	simm.s32 $0x1BFF;
	s21 =	sshll.u32 s8, $0x1;
	s5 =	sadd.s32 s6, s19  }
0x9e: {  	s9 =	simm.s32 $0x0;
	s20 =	sshll.u32 s7, $0x1;
	s7 =	sadd.s32 s21, s5  }
0x9f: {  	[timem:s9], [sflag:s22] =	dma.local [hbm:s7], s20  }
0xa0: {  	_ =	swait.ge [sflag:s22], s20  }
0xa1: {  	s6 =	ssub.s32 $0x0, s20;
	[sflag:s22] =	ssyncset.done $0x0  }
0xa2: {  	[sflag:s22] =	ssyncadd.s32 s6;
	_ =	sdelay $0x1  }
0xa3: {  	s23 =	simm.s32 $0x1B8B  }
0xa4: {  	_ =	swait.ge [sflag:s23], $0x1  }
0xa5: {  	[sflag:s23] =	ssyncset.done $0x0  }
0xa6: {  	s25 =	simm.s32 $0x1B8E;
	s24 =	sld [smem:$0x3FFE];
	[sflag:s23] =	ssyncadd.s32 $0xFFFFFFFF  }
0xa7: {  	s26 =	simm.s32 $execute0_lowered;
	[smem:$0x3FD2] =	sst s25  }
0xa8: {  	s7 =	sshll.u32 s26, $0x1;
	_ =	strace $0x80000046;
	[dreg:$0x1] =	wrdreg $0xFFFFFFFF  }
0xa9: {  	s28 =	simm.s32 $_size_execute0_lowered;
	s5 =	sadd.s32 s5, s7;
	[dreg:$0x0] =	wrdreg $0x0  }
0xaa: {  	s7 =	sshll.u32 s28, $0x1;
	[dreg:$0x2] =	wrdreg s5  }
0xab: {  	[dreg:$0x3] =	wrdreg s7  }
0xac: {  	[dreg:$0x4] =	wrdreg $0xC0  }
0xad: {  	_ =	task [dreg:s9], $0x5FFFF  }
0xae: {  	[dreg:$0x1] =	wrdreg $0xFFFFFFFF  }
0xaf: {  	[dreg:$0x0] =	wrdreg $0x60  }
0xb0: {  	[dreg:$0x2] =	wrdreg s2  }
0xb1: {  	[dreg:$0x3] =	wrdreg s18  }
0xb2: {  	[dreg:$0x4] =	wrdreg s24  }
0xb3: {  	[dreg:$0x5] =	wrdreg s4  }
0xb4: {  	[dreg:$0x6] =	wrdreg $0x0  }
0xb5: {  	[dreg:$0x7] =	wrdreg $0x9  }
0xb6: {  	_ =	task.clear_ibuf [dreg:s9], $0x8FFFF;
	_ =	strace $0x90000046  }
0xb7: {  	s29 =	simm.s32 $0x9;
	_ =	strace $0x80000048  }
0xb8: {  	_ =	swait.ge [sflag:s29], $0x1  }
0xb9: {  	[sflag:s29] =	ssyncadd.s32 $0xFFFFFFFF  }
0xba: {  	_ =	strace $0x90000048  }
0xbb: {  	_ =	sfence  }
0xbc: {  	s30 =	sld [smem:$0x0];
	_ =	sdelay $0x2  }
0xbd: {  	s31 =	sshll.u32 s1, $0xD;
	s1 =	sshrl.u32 s1, $0x2  }
0xbe: {  	s3 =	sand.u32 $0x4000, s31;
	s1 =	sadd.s32 s1, s30  }
0xbf: {  	s0 =	sor.u32 s3, s0;
	s1 =	sshll.u32 s1, $0x11  }
0xc0: {  	s0 =	sor.u32 s1, s0  }
0xc1: {  	s0 =	sadd.s32 $0x8F2B, s0  }
0xc2: {  	[sflag:s0] =	ssyncadd.remote.s32 $0x1  }
0xc3: {  	_ =	sfence.sel $0xFFFF  }
0xc4: {  	[dreg:$0x0] =	wrdreg $0xFFFFFFFF;
	(pc) =	sbr.abs _section_cstart, $3  }
0xc5: {  	[dreg:$0x1] =	wrdreg $0xFFFFFFFF  }
0xc6: {  	_ =	task.clear_ibuf [dreg:s9], $0x2FFFF;
	_ =	strace $0x9FFFFFFF  }
0xc7: {  	(tm) =	ssettm $0x7FFFFFFF  }
tec
execute0_lowered:
.L_overlay_start_1:
0x0: {  	(tag) =	ssettag $0x1  }
0x1: {  	s0 =	rddreg [dreg:$0x0]  }
0x2: {  	s1 =	rddreg [dreg:$0x1]  }
0x3: {  	s2 =	rddreg [dreg:$0x2];
	s3 =	srdreg.scid  }
0x4: {  	s13 =	stileid.u32;
	s4 =	rddreg [dreg:$0x4];
	s5 =	simm.s32 $0x0  }
0x5: {  	s28 =	simm.s32 $0x14300;
	s29 =	simm.s32 $0x1;
	s30 =	simm.s32 $0x4  }
0x6: {  	s31 =	simm.s32 $0x14100;
	s3 =	sand.u32 $0x1, s3;
	s7 =	smul.u32 $0x14000, s13  }
0x7: {  	[smem:$0x7FF] =	sst s5;
	s9 =	sshll.u32 s13, $0x1;
	s10 =	smul.u32 $0x50000, s13  }
0x8: {  	s12 =	sshll.u32 s13, $0x6;
	s23 =	sshll.u32 s13, $0x9;
	s6 =	smul.u32 $0x140000, s3  }
0x9: {  	_ =	strace $0x80000047;
	s8 =	ssub.s32 $0x2, s3;
	s9 =	sor.u32 s3, s9  }
0xa: {  	s24 =	sshll.u32 s3, $0x8;
	s3 =	sshll.u32 s3, $0x5;
	s18 =	sshrl.u32 s8, $0x1  }
0xb: {  	s19 =	sshrl.u32 s10, $0x2;
	s20 =	sshll.u32 s9, $0x5;
	s26 =	sor.u32 $0xA0, s9  }
0xc: {  	s9 =	simm.s32 $0x14180;
	s7 =	sadd.s32 s7, s6;
	s6 =	sadd.s32 $0xE00, s2  }
0xd: {  	s11 =	ssub.s32 s8, s18;
	s10 =	sadd.s32 s19, s4;
	s21 =	sadd.s32 s1, s20  }
0xe: {  	s8 =	sor.u32 $0x1C06, s12;
	s1 =	sadd.s32 s12, s1;
	[dreg:$0xd] =	wrdreg s26  }
0xf: {  	s18 =	simm.s32 $0x6;
	s19 =	simm.s32 $0x14000;
	s20 =	simm.s32 $0x14200  }
0x10: {  	s26 =	simm.s32 $0x18400;
	s7 =	sshrl.u32 s7, $0x3;
	s14 =	sadd.s32 $0x10, s21  }
0x11: {  	s22 =	sadd.s32 $0x400, s21;
	[dreg:$0x6] =	wrdreg s21;
	s25 =	smax.u32 s11, $0x1  }
0x12: {  	s1 =	sadd.s32 s3, s1;
	s11 =	sshrl.u32 s10, $0x3;
	[dreg:$0x7] =	wrdreg s14  }
0x13: {  	s3 =	simm.s32 $0x5;
	s10 =	simm.s32 $0x0;
	[dreg:$0x8] =	wrdreg s22  }
0x14: {  	s2 =	sadd.s32 s7, s2;
	s7 =	sadd.s32 $0x410, s21;
	[dreg:$0xb] =	wrdreg s25  }
.Ltmp0:
0x15: {  	s14 =	sor.u32 s24, s23;
	s1 =	sadd.s32 $0x1410, s1;
	(pc) =	sbr.rel .LBB2_1-.Ltmp0, $4  }
0x16: {  	s21 =	simm.s32 $0x80;
	s22 =	simm.s32 $0x14400;
	[dreg:$0xe] =	wrdreg s11  }
0x17: {  	s23 =	simm.s32 $0x14080;
	s24 =	simm.s32 $0x14280;
	[dreg:$0x9] =	wrdreg s7  }
0x18: {  	s25 =	simm.s32 $0x3;
	s2 =	sadd.s32 $0x1600, s2;
	[dreg:$0xc] =	wrdreg s1  }
0x19: {  	s1 =	simm.s32 $0x2;
	[dreg:$0xa] =	wrdreg s2;
	s2 =	simm.s32 $0x14380  }
.LBB2_5:
0x1a: {  	_ =	swait.ge [sflag:s30], $0x4000  }
0x1b: {  	[sflag:s30] =	ssyncset.done $0x0  }
0x1c: {  	[sflag:s30] =	ssyncadd.s32 $0xFFFFC000  }
0x1d: {  	_ =	swait.ge [sflag:s3], $0x4000  }
0x1e: {  	[sflag:s3] =	ssyncset.done $0x0  }
0x1f: {  	[sflag:s3] =	ssyncadd.s32 $0xFFFFC000  }
0x20: {  	[bflag:$0x0] =	sbarrier.arrive $0xFFFF  }
0x21: {  	s7 =	rddreg [dreg:$0xa]  }
0x22: {  	s11 =	rddreg [dreg:$0xe]  }
0x23: {  	[hbm:s7], [sflag:s17] =	dma.local [spmem:s11], $0x2800  }
0x24: {  	_ =	swait.ge [sflag:s18], $0x2800  }
0x25: {  	s8 =	smov.u32 s17;
	s10 =	sadd.s32 $0x1, s10;
	s17 =	rddreg [dreg:$0xb]  }
0x26: {  	p0 =	sne.s32 s10, s17  }
.Ltmp1:
0x27: {  	_ = 	snop;
	(pc) =	sbr.rel @!p0 .LBB2_6-.Ltmp1, $3  }
0x28: {  	_ =	sdelay $0x1  }
0x29: {  	[sflag:s18] =	ssyncset.done $0x0  }
0x2a: {  	[sflag:s18] =	ssyncadd.s32 $0xFFFFD800  }
.LBB2_1:
0x2b: {  	s7 =	rddreg [dreg:$0x3]  }
0x2c: {  	[spmem:s11], [sflag:s8] =	dma.local [hbm:s7], $0x2800  }
0x2d: {  	_ =	swait.ge [sflag:s18], $0x2800  }
0x2e: {  	[sflag:s18] =	ssyncset.done $0x0  }
0x2f: {  	[sflag:s18] =	ssyncadd.s32 $0xFFFFD800  }
0x30: {  	[bflag:$0x0] =	sbarrier.arrive $0xFFFF  }
0x31: {  	s12 =	rddreg [dreg:$0x6]  }
0x32: {  	[tilespmem:s19], [sflag:$0x6] =	stream.linear.gather [hbm4b:s12+s5], $0x80, $0x38;
	[tilespmem:$0x1C400] =	vst v63  }
0x33: {  	_ =	swait.ge [sflag:s18], $0x80  }
0x34: {  	[sflag:s18] =	ssyncset.done $0x0  }
0x35: {  	s13 =	rddreg [dreg:$0x7];
	[sflag:s18] =	ssyncadd.s32 $0xFFFFFF80  }
0x36: {  	[tilespmem:s20], [sflag:$0x6] =	stream.linear.gather [hbm4b:s13+s5], $0x80, $0x38;
	[tilespmem:$0x1C400] =	vst v63  }
0x37: {  	_ =	swait.ge [sflag:s18], $0x80  }
0x38: {  	[sflag:s18] =	ssyncset.done $0x0  }
0x39: {  	s15 =	rddreg [dreg:$0x8];
	[sflag:s18] =	ssyncadd.s32 $0xFFFFFF80  }
0x3a: {  	[tilespmem:s22], [sflag:$0x1] =	stream.indirect.gather [hbm4b:s0+s21], $0x80, s19, s21, $0xb8;
	[tilespmem:$0x1C400] =	vst v63  }
.Ltmp2:
0x3b: {  	s16 =	rddreg [dreg:$0x9];
	(pc) =	sbr.rel .LBB2_2-.Ltmp2, $4  }
0x3c: {  	[tilespmem:s23], [sflag:$0x3] =	stream.linear.gather [hbm4b:s15+s5], $0x80, $0x38;
	[tilespmem:$0x1C400] =	vst v63  }
0x3d: {  	s15 =	rddreg [dreg:$0xc]  }
0x3e: {  	[tilespmem:s24], [sflag:$0x3] =	stream.linear.gather [hbm4b:s16+s5], $0x80, $0x38;
	[tilespmem:$0x1C400] =	vst v63  }
0x3f: {  	s17 =	smov.u32 s8;
	s13 =	simm.s32 $0x0;
	s16 =	rddreg [dreg:$0xd]  }
.LBB2_3:
0x40: {  	s7 =	sadd.s32 $0xFFFFFFE0, s16  }
0x41: {  	p0 =	sgt.u32 s7, $0x9C3  }
0x42: {  	s7 =	sadd.s32 @p0 s13, s14  }
0x43: {  	s8 =	sadd.s32 @p0 $0xFFF6BC00, s7  }
0x44: {  	s11 =	simm.s32 @p0 $0x0;
	s7 =	sadd.s32 @p0 $0xFFF6BC80, s7;
	s8 =	sshrl.u32 @p0 s8, $0x3  }
0x45: {  	s12 =	simm.s32 @p0 $0x14000;
	s7 =	sshrl.u32 @p0 s7, $0x3;
	s8 =	sadd.s32 @p0 s6, s8  }
0x46: {  	[tilespmem:s12], [sflag:$0x3] =	stream.linear.gather @p0 [hbm4b:s8+s11], $0x80, $0x38;
	[tilespmem:$0x1C400] =	vst v63  }
0x47: {  	s8 =	sadd.s32 @!p0 $0xFFFFFBF0, s15;
	s11 =	simm.s32 @!p0 $0x0;
	s12 =	simm.s32 @!p0 $0x14000  }
0x48: {  	[tilespmem:s12], [sflag:$0x3] =	stream.linear.gather @!p0 [hbm4b:s8+s11], $0x80, $0x38;
	[tilespmem:$0x1C400] =	vst v63  }
0x49: {  	s7 =	sadd.s32 @p0 s6, s7;
	s12 =	sadd.s32 @!p0 $0xFFFFFC00, s15  }
0x4a: {  	s12 =	smov.u32 @p0 s7  }
0x4b: {  	[tilespmem:s20], [sflag:$0x3] =	stream.linear.gather [hbm4b:s12+s5], $0x80, $0x38;
	[tilespmem:$0x1C400] =	vst v63  }
0x4c: {  	_ =	swait.ge [sflag:s29], $0x4000  }
0x4d: {  	[sflag:s29] =	ssyncset.done $0x0  }
0x4e: {  	[sflag:s29] =	ssyncadd.s32 $0xFFFFC000  }
0x4f: {  	[spmem:s4] =	stream.indirect.scatter.add.f32 [tilespmem:s22], [sflag:$0x4], $0x80, s28, s21, $0xb8;
	[tilespmem:$0x1C400] =	vst v63  }
0x50: {  	_ =	swait.ge [sflag:s30], $0x4000  }
0x51: {  	[sflag:s30] =	ssyncset.done $0x0  }
0x52: {  	[sflag:s30] =	ssyncadd.s32 $0xFFFFC000  }
0x53: {  	_ =	swait.ge [sflag:s25], $0x80  }
0x54: {  	[sflag:s25] =	ssyncset.done $0x0  }
0x55: {  	p0 =	sgt.u32 s16, $0x9C3;
	[sflag:s25] =	ssyncadd.s32 $0xFFFFFF80  }
0x56: {  	s7 =	sadd.s32 @p0 s13, s14;
	_ =	swait.ge [sflag:s25], $0x80  }
0x57: {  	s11 =	simm.s32 @p0 $0x0;
	s8 =	sadd.s32 @p0 $0xFFF6DC00, s7;
	[sflag:s25] =	ssyncset.done $0x0  }
0x58: {  	s7 =	sadd.s32 @p0 $0xFFF6DC80, s7;
	s8 =	sshrl.u32 @p0 s8, $0x3;
	[sflag:s25] =	ssyncadd.s32 $0xFFFFFF80  }
0x59: {  	[tilespmem:s22], [sflag:$0x1] =	stream.indirect.gather [hbm4b:s0+s21], $0x80, s19, s21, $0xb8;
	[tilespmem:$0x1C400] =	vst v63  }
0x5a: {  	s12 =	simm.s32 @p0 $0x14080;
	s7 =	sshrl.u32 @p0 s7, $0x3;
	s8 =	sadd.s32 @p0 s6, s8  }
0x5b: {  	[tilespmem:s12], [sflag:$0x3] =	stream.linear.gather @p0 [hbm4b:s8+s11], $0x80, $0x38;
	[tilespmem:$0x1C400] =	vst v63  }
0x5c: {  	s7 =	sadd.s32 @p0 s6, s7;
	s8 =	simm.s32 @p0 $0x14280  }
0x5d: {  	[tilespmem:s8], [sflag:$0x3] =	stream.linear.gather @p0 [hbm4b:s7+s11], $0x80, $0x38;
	[tilespmem:$0x1C400] =	vst v63  }
0x5e: {  	s7 =	sadd.s32 @!p0 $0xFFFFFFF0, s15;
	s8 =	simm.s32 @!p0 $0x0;
	s11 =	simm.s32 @!p0 $0x14080  }
0x5f: {  	[tilespmem:s11], [sflag:$0x3] =	stream.linear.gather @!p0 [hbm4b:s7+s8], $0x80, $0x38;
	[tilespmem:$0x1C400] =	vst v63  }
0x60: {  	s7 =	simm.s32 @!p0 $0x14280  }
0x61: {  	[tilespmem:s7], [sflag:$0x3] =	stream.linear.gather @!p0 [hbm4b:s15+s8], $0x80, $0x38;
	[tilespmem:$0x1C400] =	vst v63  }
.LBB2_4:
0x62: {  	s13 =	sadd.s32 $0x8000, s13  }
0x63: {  	p0 =	sne.s32 s13, $0xA0000  }
.Ltmp3:
0x64: {  	_ = 	snop;
	(pc) =	sbr.rel @!p0 .LBB2_5-.Ltmp3, $4  }
0x65: {  	_ =	swait.ge [sflag:s1], $0x4000  }
0x66: {  	[sflag:s1] =	ssyncset.done $0x0  }
0x67: {  	s15 =	sadd.s32 $0x1000, s15;
	s16 =	sadd.s32 $0x80, s16;
	[sflag:s1] =	ssyncadd.s32 $0xFFFFC000  }
0x68: {  	[spmem:s4] =	stream.indirect.scatter.add.f32 [tilespmem:s26], [sflag:$0x5], $0x80, s2, s21, $0xb8;
	[tilespmem:$0x1C400] =	vst v63  }
.LBB2_2:
0x69: {  	p0 =	seq.s32 s13, $0x0  }
0x6a: {  	s12 =	simm.s32 @!p0 $0x5  }
0x6b: {  	_ =	swait.ge @!p0 [sflag:s12], $0x4000  }
0x6c: {  	[sflag:s12] =	ssyncset.done @!p0 $0x0  }
0x6d: {  	[sflag:s12] =	ssyncadd.s32 @!p0 $0xFFFFC000  }
0x6e: {  	_ =	swait.ge [sflag:s25], $0x80  }
0x6f: {  	s11 =	sadd.s32 $0xFFFFFFA0, s16;
	[sflag:s25] =	ssyncset.done $0x0  }
0x70: {  	p0 =	sgt.u32 s11, $0x9C3;
	[sflag:s25] =	ssyncadd.s32 $0xFFFFFF80  }
0x71: {  	s12 =	sadd.s32 @p0 s13, s14;
	_ =	swait.ge [sflag:s25], $0x80  }
0x72: {  	s11 =	sadd.s32 @p0 $0xFFF67C00, s12;
	[sflag:s25] =	ssyncset.done $0x0  }
0x73: {  	s11 =	sshrl.u32 @p0 s11, $0x3;
	[sflag:s25] =	ssyncadd.s32 $0xFFFFFF80  }
0x74: {  	[tilespmem:s26], [sflag:$0x2] =	stream.indirect.gather [hbm4b:s0+s21], $0x80, s23, s21, $0xb8;
	[tilespmem:$0x1C400] =	vst v63  }
0x75: {  	s7 =	simm.s32 @p0 $0x0;
	s8 =	simm.s32 @p0 $0x14100;
	s11 =	sadd.s32 @p0 s6, s11  }
0x76: {  	[tilespmem:s8], [sflag:$0x3] =	stream.linear.gather @p0 [hbm4b:s11+s7], $0x80, $0x38;
	[tilespmem:$0x1C400] =	vst v63  }
0x77: {  	s7 =	sadd.s32 @p0 $0xFFF67C80, s12;
	s8 =	sadd.s32 @!p0 $0xFFFFF3F0, s15  }
0x78: {  	s11 =	simm.s32 @!p0 $0x0;
	s12 =	simm.s32 @!p0 $0x14100;
	s7 =	sshrl.u32 @p0 s7, $0x3  }
0x79: {  	[tilespmem:s12], [sflag:$0x3] =	stream.linear.gather @!p0 [hbm4b:s8+s11], $0x80, $0x38;
	[tilespmem:$0x1C400] =	vst v63  }
0x7a: {  	s7 =	sadd.s32 @p0 s6, s7;
	s8 =	sadd.s32 @!p0 $0xFFFFF400, s15  }
0x7b: {  	s8 =	smov.u32 @p0 s7  }
0x7c: {  	[tilespmem:s28], [sflag:$0x3] =	stream.linear.gather [hbm4b:s8+s5], $0x80, $0x38;
	[tilespmem:$0x1C400] =	vst v63  }
0x7d: {  	_ =	swait.ge [sflag:s29], $0x4000  }
0x7e: {  	[sflag:s29] =	ssyncset.done $0x0  }
0x7f: {  	[sflag:s29] =	ssyncadd.s32 $0xFFFFC000  }
0x80: {  	[spmem:s4] =	stream.indirect.scatter.add.f32 [tilespmem:s22], [sflag:$0x4], $0x80, s20, s21, $0xb8;
	[tilespmem:$0x1C400] =	vst v63  }
0x81: {  	_ =	swait.ge [sflag:s30], $0x4000  }
0x82: {  	[sflag:s30] =	ssyncset.done $0x0  }
0x83: {  	[sflag:s30] =	ssyncadd.s32 $0xFFFFC000  }
0x84: {  	_ =	swait.ge [sflag:s25], $0x80  }
0x85: {  	s12 =	sadd.s32 $0xFFFFFFC0, s16;
	[sflag:s25] =	ssyncset.done $0x0  }
0x86: {  	p0 =	sgt.u32 s12, $0x9C3;
	[sflag:s25] =	ssyncadd.s32 $0xFFFFFF80  }
0x87: {  	s7 =	sadd.s32 @p0 s13, s14;
	_ =	swait.ge [sflag:s25], $0x80  }
0x88: {  	s11 =	simm.s32 @p0 $0x0;
	s8 =	sadd.s32 @p0 $0xFFF69C00, s7;
	[sflag:s25] =	ssyncset.done $0x0  }
0x89: {  	s7 =	sadd.s32 @p0 $0xFFF69C80, s7;
	s8 =	sshrl.u32 @p0 s8, $0x3;
	[sflag:s25] =	ssyncadd.s32 $0xFFFFFF80  }
0x8a: {  	[tilespmem:s22], [sflag:$0x1] =	stream.indirect.gather [hbm4b:s0+s21], $0x80, s31, s21, $0xb8;
	[tilespmem:$0x1C400] =	vst v63  }
0x8b: {  	s12 =	simm.s32 @p0 $0x14180;
	s7 =	sshrl.u32 @p0 s7, $0x3;
	s8 =	sadd.s32 @p0 s6, s8  }
0x8c: {  	[tilespmem:s12], [sflag:$0x3] =	stream.linear.gather @p0 [hbm4b:s8+s11], $0x80, $0x38;
	[tilespmem:$0x1C400] =	vst v63  }
0x8d: {  	s8 =	sadd.s32 @!p0 $0xFFFFF7F0, s15;
	s11 =	simm.s32 @!p0 $0x0;
	s12 =	simm.s32 @!p0 $0x14180  }
0x8e: {  	[tilespmem:s12], [sflag:$0x3] =	stream.linear.gather @!p0 [hbm4b:s8+s11], $0x80, $0x38;
	[tilespmem:$0x1C400] =	vst v63  }
0x8f: {  	s7 =	sadd.s32 @p0 s6, s7;
	s8 =	sadd.s32 @!p0 $0xFFFFF800, s15  }
0x90: {  	s8 =	smov.u32 @p0 s7  }
0x91: {  	[tilespmem:s2], [sflag:$0x3] =	stream.linear.gather [hbm4b:s8+s5], $0x80, $0x38;
	[tilespmem:$0x1C400] =	vst v63  }
0x92: {  	_ =	swait.ge [sflag:s1], $0x4000  }
0x93: {  	[sflag:s1] =	ssyncset.done $0x0  }
0x94: {  	[sflag:s1] =	ssyncadd.s32 $0xFFFFC000  }
0x95: {  	[spmem:s4] =	stream.indirect.scatter.add.f32 [tilespmem:s26], [sflag:$0x5], $0x80, s24, s21, $0xb8;
	[tilespmem:$0x1C400] =	vst v63  }
0x96: {  	_ =	swait.ge [sflag:s3], $0x4000  }
0x97: {  	[sflag:s3] =	ssyncset.done $0x0  }
0x98: {  	[sflag:s3] =	ssyncadd.s32 $0xFFFFC000  }
0x99: {  	_ =	swait.ge [sflag:s25], $0x80  }
0x9a: {  	p0 =	seq.s32 s13, $0x98000;
	[sflag:s25] =	ssyncset.done $0x0  }
.Ltmp4:
0x9b: {  	[sflag:s25] =	ssyncadd.s32 $0xFFFFFF80;
	(pc) =	sbr.rel @!p0 .LBB2_3-.Ltmp4, $4  }
0x9c: {  	_ =	swait.ge [sflag:s25], $0x80  }
0x9d: {  	[sflag:s25] =	ssyncset.done $0x0  }
0x9e: {  	[sflag:s25] =	ssyncadd.s32 $0xFFFFFF80  }
0x9f: {  	[tilespmem:s26], [sflag:$0x2] =	stream.indirect.gather [hbm4b:s0+s21], $0x80, s9, s21, $0xb8;
	[tilespmem:$0x1C400] =	vst v63  }
.Ltmp5:
0xa0: {  	(pc) =	sbr.rel .LBB2_4-.Ltmp5, $4  }
0xa1: {  	_ =	swait.ge [sflag:s29], $0x4000  }
0xa2: {  	[sflag:s29] =	ssyncset.done $0x0  }
0xa3: {  	[sflag:s29] =	ssyncadd.s32 $0xFFFFC000  }
0xa4: {  	[spmem:s4] =	stream.indirect.scatter.add.f32 [tilespmem:s22], [sflag:$0x4], $0x80, s28, s21, $0xb8;
	[tilespmem:$0x1C400] =	vst v63  }
.LBB2_6:
0xa5: {  	_ =	sfence.sel $0x180000  }
0xa6: {  	[bflag:$0x0] =	sbarrier.arrive $0xFFFF  }
0xa7: {  	_ =	strace $0x90000047  }
0xa8: {  	s0 =	stileid.u32;
	[bflag:$0x2] =	sbarrier.arrive $0xFFFF  }
0xa9: {  	p0 =	sne.s32 s0, $0x0;
	s0 =	rddreg [dreg:$0x5]  }
0xaa: {  	s0 =	sadd.s32 @!p0 $0x100000, s0  }
0xab: {  	[sflag:s0] =	ssyncadd.tile.s32 @!p0 $0x1;
	_ =	shalt  }
.Lfunc_end2:
_tile_overlayer_lowered:
.L_overlay_start_2:
0xac: {  	(tag) =	ssettag $0x2  }
0xad: {  	s0 =	rddreg [dreg:$0x0];
	s2 =	stileid.u32  }
0xae: {  	s1 =	rddreg [dreg:$0x1];
	p0 =	sne.s32 s2, $0x0  }
0xaf: {  	s3 =	rddreg [dreg:$0x2];
	[bflag:$0x3] =	sbarrier.arrive $0xFFFF;
	s2 =	simm.s32 @!p0 $0x1C06  }
0xb0: {  	[timem:s3], [sflag:s2] =	dma.local @!p0 [hbm:s0], s1  }
0xb1: {  	s0 =	simm.s32 @!p0 $0x6  }
0xb2: {  	_ =	swait.ge @!p0 [sflag:s0], s1  }
0xb3: {  	s1 =	ssub.s32 @!p0 $0x0, s1;
	[sflag:s0] =	ssyncset.done @!p0 $0x0  }
0xb4: {  	[sflag:s0] =	ssyncadd.s32 @!p0 s1  }
0xb5: {  	[bflag:$0x3] =	sbarrier.arrive $0xFFFF  }
0xb6: {  	_ =	shalt  }

</sc_bundles>
